<compile_context>
chip_gen: v7x
topology: tpu7x:2x2x1
jax: 0.10.2.dev20260603
libtpu: 0.0.44.dev20260713+nightly
codegen_flags: <defaults>
</compile_context>

<pallas_src>
import functools

import jax
import jax.numpy as jnp
from jax import lax
from jax.experimental import pallas as pl
from jax.experimental.pallas import tpu as pltpu
from jax.experimental.pallas import tpu_sc as plsc

N, E, D = 10000, 320000, 128
NC, NS = 2, 16
NW = NC * NS
EPW = E // NW
C = 128
NCHT = E // C
NST = -(-NCHT // NW)
NPAD = 10240
RPS = NPAD // NS
ZR = 80


def _sc_segment_sum(edge_index, x):
  mesh = plsc.VectorSubcoreMesh(core_axis_name="c", subcore_axis_name="s")

  @functools.partial(
      pl.kernel,
      out_type=jax.ShapeDtypeStruct((NC, NPAD, D), jnp.float32),
      mesh=mesh,
      compiler_params=pltpu.CompilerParams(use_tc_tiling_on_sc=True),
      scratch_types=[
          pltpu.VMEM((2, C), jnp.int32),
          pltpu.VMEM((2, C), jnp.int32),
          pltpu.VMEM((2, C), jnp.int32),
          pltpu.VMEM((2, C), jnp.int32),
          pltpu.VMEM((C, D), jnp.float32),
          pltpu.VMEM((C, D), jnp.float32),
          pltpu.VMEM((ZR, D), jnp.float32),
          pltpu.VMEM_SHARED((NPAD, D), jnp.float32),
          [pltpu.SemaphoreType.DMA] * 4,
          pltpu.SemaphoreType.DMA,
          pltpu.SemaphoreType.DMA,
      ],
  )
  def kern(edges_hbm, x_hbm, out_hbm, idx0, idx1, idx2, idx3,
           rows_a, rows_b, zbuf, acc, isems, gsem_a, gsem_b):
    cid = lax.axis_index("c")
    sid = lax.axis_index("s")
    wid = sid * NC + cid
    idxs = [idx0, idx1, idx2, idx3]

    def fetch_idx(t, slot):
      k = wid + NW * t
      pltpu.async_copy(
          edges_hbm.at[pl.ds(0, 2), pl.ds(k * C, C)],
          idxs[slot], isems[slot])

    def wait_idx(slot):
      pltpu.make_async_copy(edges_hbm.at[pl.ds(0, 2), pl.ds(0, C)],
                            idxs[slot], isems[slot]).wait()

    def gather(slot, buf, sem):
      pltpu.async_copy(x_hbm.at[idxs[slot].at[0]], buf, sem)

    def wait_rows(buf, sem):
      pltpu.make_async_copy(x_hbm.at[idx0.at[0]], buf, sem).wait()

    def scatter(slot, buf):
      pltpu.sync_copy(buf, acc.at[idxs[slot].at[1]], add=True)

    for t in range(4):
      fetch_idx(t, t)

    z16 = jnp.zeros((16,), jnp.float32)

    def zrow(i, _):
      for k in range(D // 16):
        zbuf[i, pl.ds(k * 16, 16)] = z16
      return 0

    lax.fori_loop(0, ZR, zrow, 0)
    wait_idx(0)
    gather(0, rows_a, gsem_a)
    wait_idx(1)
    gather(1, rows_b, gsem_b)
    for k in range(RPS // ZR):
      pltpu.sync_copy(zbuf, acc.at[pl.ds(sid * RPS + k * ZR, ZR)])
    plsc.subcore_barrier()

    def valid(t):
      return wid + NW * t < NCHT

    def quad(q, _):
      t0 = 4 * q
      stages = [(0, rows_a, gsem_a), (1, rows_b, gsem_b),
                (2, rows_a, gsem_a), (3, rows_b, gsem_b)]
      for j, (slot, rbuf, gsem) in enumerate(stages):
        t = t0 + j

        @pl.when(valid(t))
        def _():
          wait_rows(rbuf, gsem)
          scatter(slot, rbuf)

        @pl.when(valid(t + 4))
        def _():
          fetch_idx(t + 4, slot)

        @pl.when(valid(t + 2))
        def _():
          nslot = (slot + 2) % 4
          wait_idx(nslot)
          gather(nslot, rbuf, gsem)

      return 0

    lax.fori_loop(0, -(-NST // 4), quad, 0)
    plsc.subcore_barrier()

    pltpu.sync_copy(acc.at[pl.ds(sid * RPS, RPS)],
                    out_hbm.at[cid, pl.ds(sid * RPS, RPS)])

  return kern(edge_index, x)


def _tc_mlp(x, partial, W1, b1, W2, b2, eps):
  BR = 5000

  def kern(x_ref, p0_ref, p1_ref, w1_ref, b1_ref, w2_ref, b2_ref, eps_ref,
           out_ref):
    scale = 1.0 + eps_ref[0, 0]
    acc = scale * x_ref[...] + p0_ref[0] + p1_ref[0]
    h = jnp.dot(acc, w1_ref[...], preferred_element_type=jnp.float32)
    h = jnp.maximum(h + b1_ref[...], 0.0)
    o = jnp.dot(h, w2_ref[...], preferred_element_type=jnp.float32)
    out_ref[...] = o + b2_ref[...]

  row_spec = pl.BlockSpec((BR, D), lambda i: (i, 0))
  p0_spec = pl.BlockSpec((1, BR, D), lambda i: (0, i, 0))
  p1_spec = pl.BlockSpec((1, BR, D), lambda i: (1, i, 0))
  full = pl.BlockSpec((D, D), lambda i: (0, 0))
  vec = pl.BlockSpec((1, D), lambda i: (0, 0))
  return pl.pallas_call(
      kern,
      grid=(N // BR,),
      in_specs=[row_spec, p0_spec, p1_spec, full, vec, full, vec,
                pl.BlockSpec(memory_space=pltpu.SMEM)],
      out_specs=row_spec,
      out_shape=jax.ShapeDtypeStruct((N, D), jnp.float32),
  )(x, partial, partial, W1, b1, W2, b2, eps)


@jax.jit
def kernel(x, edge_index, W1, b1, W2, b2, eps):
  partial = _sc_segment_sum(edge_index, x)
  return _tc_mlp(x, partial, W1, b1.reshape(1, D), W2, b2.reshape(1, D),
                 eps)

# --- scband reference (transcript-rebuilt; emitter-appended) ---
"""Pipeline reference for scband-ginconv-ptens-50869592655529 (READ-ONLY COPY).

The authoritative reference and input builder live on the scoring server;
editing this copy changes nothing except your own understanding.
"""

import jax, jax.numpy as jnp
import numpy as np

N, E, D = 10000, 320000, 128

def setup_inputs(seed: int = 0) -> dict:
    key = jax.random.key(seed)
    k1, k2, k3, k4 = jax.random.split(key, 4)
    x = jax.random.normal(k1, (N, D), dtype=jnp.float32)
    edge_index = jax.random.randint(k2, (2, E), 0, N, dtype=jnp.int32)
    W1 = jax.random.normal(k3, (D, D), dtype=jnp.float32) * 0.05
    b1 = jnp.zeros((D,), dtype=jnp.float32)
    W2 = jax.random.normal(k4, (D, D), dtype=jnp.float32) * 0.05
    b2 = jnp.zeros((D,), dtype=jnp.float32)
    eps = jnp.zeros((1, 1), dtype=jnp.float32)
    return {"x": x, "edge_index": edge_index, "W1": W1, "b1": b1, "W2": W2, "b2": b2, "eps": eps}

def reference(x, edge_index, W1, b1, W2, b2, eps):
    src = edge_index[0]
    dst = edge_index[1]
    n = x.shape[0]
    # data.degree: number of edges incident to each node (dst side)
    degree = jnp.bincount(dst, length=n).astype(jnp.float32)[:, None]
    # node2edge: per-edge ptensor = sum of endpoint node features (order-0 gather to edge subgraph)
    node2edge = x[src] + x[dst]
    # gather edge ptensors back to nodes (sum over incident edges)
    gathered = jax.ops.segment_sum(node2edge, dst, num_segments=n)
    # neighbor = gathered - x * degree  (removes self contribution, leaving sum of neighbor features)
    neighbor = gathered - x * degree
    out = (1.0 + eps) * x + neighbor
    # self.nn: 2-layer MLP D -> D -> D with ReLU
    h = jnp.maximum(out @ W1 + b1, 0.0)
    return h @ W2 + b2

if __name__ == "__main__":
    import jax
    _d = setup_inputs()
    print(jax.jit(kernel)(*tuple(_d.values())))

</pallas_src>

<mosaic_0001>
#map = affine_map<(d0, d1) -> (0, 0)>
#map1 = affine_map<(d0, d1) -> (0, 0, 0)>
module attributes {stable_mosaic.version = 14 : i64} {
  func.func @kern(%arg0: i32, %arg1: i32, %arg2: memref<2x320000xi32, #tpu.memory_space<hbm>>, %arg3: memref<10000x128xf32, #tpu.memory_space<hbm>>, %arg4: memref<2x10240x128xf32, #tpu.memory_space<hbm>>, %arg5: memref<2x128xi32, #tpu.memory_space<vmem>>, %arg6: memref<2x128xi32, #tpu.memory_space<vmem>>, %arg7: memref<2x128xi32, #tpu.memory_space<vmem>>, %arg8: memref<2x128xi32, #tpu.memory_space<vmem>>, %arg9: memref<128x128xf32, #tpu.memory_space<vmem>>, %arg10: memref<128x128xf32, #tpu.memory_space<vmem>>, %arg11: memref<80x128xf32, #tpu.memory_space<vmem>>, %arg12: memref<10240x128xf32, #tpu.memory_space<vmem_shared>>, %arg13: memref<!tpu.dma_semaphore, #tpu.memory_space<semaphore_mem>>, %arg14: memref<!tpu.dma_semaphore, #tpu.memory_space<semaphore_mem>>, %arg15: memref<!tpu.dma_semaphore, #tpu.memory_space<semaphore_mem>>, %arg16: memref<!tpu.dma_semaphore, #tpu.memory_space<semaphore_mem>>, %arg17: memref<!tpu.dma_semaphore, #tpu.memory_space<semaphore_mem>>, %arg18: memref<!tpu.dma_semaphore, #tpu.memory_space<semaphore_mem>>) attributes {dimension_semantics = [#tpu.dimension_semantics<core_parallel>, #tpu.dimension_semantics<subcore_parallel>], iteration_bounds = array<i64: 2, 16>, scalar_prefetch = 0 : i64, scratch_operands = 14 : i64, tpu.core_type = #tpu.core_type<sc_vector_subcore>, window_params = [{transform_indices = #map}, {transform_indices = #map}, {transform_indices = #map1}]} {
    %mul3A = arith.constant 2 : i32
    %mul3A_0 = arith.muli %arg1, %mul3A : i32
    %add3A = arith.addi %mul3A_0, %arg0 : i32
    %add3A_1 = arith.constant 0 : i32
    %add3A_2 = arith.addi %add3A, %add3A_1 : i32
    %mul3A_3 = arith.constant 128 : i32
    %mul3A_4 = arith.muli %add3A_2, %mul3A_3 : i32
    %dma_start3A = arith.constant 0 : i32
    %dma_start3A_5 = tpu.memref_slice %arg2[%dma_start3A, %mul3A_4] : memref<2x320000xi32, #tpu.memory_space<hbm>> -> memref<2x128xi32, #tpu.memory_space<hbm>>
    %dma_start3A_6 = arith.constant 0 : i32
    %dma_start3A_7 = tpu.memref_slice %arg2[%dma_start3A_6, %mul3A_4] : memref<2x320000xi32, #tpu.memory_space<hbm>> -> memref<2x128xi32, #tpu.memory_space<hbm>>
    tpu.enqueue_dma source(%dma_start3A_7 : memref<2x128xi32, #tpu.memory_space<hbm>>) target(%arg5 : memref<2x128xi32, #tpu.memory_space<vmem>>) target_semaphore(%arg13 : memref<!tpu.dma_semaphore, #tpu.memory_space<semaphore_mem>>)
    %add3A_8 = arith.constant 32 : i32
    %add3A_9 = arith.addi %add3A, %add3A_8 : i32
    %mul3A_10 = arith.constant 128 : i32
    %mul3A_11 = arith.muli %add3A_9, %mul3A_10 : i32
    %dma_start3A_12 = arith.constant 0 : i32
    %dma_start3A_13 = tpu.memref_slice %arg2[%dma_start3A_12, %mul3A_11] : memref<2x320000xi32, #tpu.memory_space<hbm>> -> memref<2x128xi32, #tpu.memory_space<hbm>>
    %dma_start3A_14 = arith.constant 0 : i32
    %dma_start3A_15 = tpu.memref_slice %arg2[%dma_start3A_14, %mul3A_11] : memref<2x320000xi32, #tpu.memory_space<hbm>> -> memref<2x128xi32, #tpu.memory_space<hbm>>
    tpu.enqueue_dma source(%dma_start3A_15 : memref<2x128xi32, #tpu.memory_space<hbm>>) target(%arg6 : memref<2x128xi32, #tpu.memory_space<vmem>>) target_semaphore(%arg14 : memref<!tpu.dma_semaphore, #tpu.memory_space<semaphore_mem>>)
    %add3A_16 = arith.constant 64 : i32
    %add3A_17 = arith.addi %add3A, %add3A_16 : i32
    %mul3A_18 = arith.constant 128 : i32
    %mul3A_19 = arith.muli %add3A_17, %mul3A_18 : i32
    %dma_start3A_20 = arith.constant 0 : i32
    %dma_start3A_21 = tpu.memref_slice %arg2[%dma_start3A_20, %mul3A_19] : memref<2x320000xi32, #tpu.memory_space<hbm>> -> memref<2x128xi32, #tpu.memory_space<hbm>>
    %dma_start3A_22 = arith.constant 0 : i32
    %dma_start3A_23 = tpu.memref_slice %arg2[%dma_start3A_22, %mul3A_19] : memref<2x320000xi32, #tpu.memory_space<hbm>> -> memref<2x128xi32, #tpu.memory_space<hbm>>
    tpu.enqueue_dma source(%dma_start3A_23 : memref<2x128xi32, #tpu.memory_space<hbm>>) target(%arg7 : memref<2x128xi32, #tpu.memory_space<vmem>>) target_semaphore(%arg15 : memref<!tpu.dma_semaphore, #tpu.memory_space<semaphore_mem>>)
    %add3A_24 = arith.constant 96 : i32
    %add3A_25 = arith.addi %add3A, %add3A_24 : i32
    %mul3A_26 = arith.constant 128 : i32
    %mul3A_27 = arith.muli %add3A_25, %mul3A_26 : i32
    %dma_start3A_28 = arith.constant 0 : i32
    %dma_start3A_29 = tpu.memref_slice %arg2[%dma_start3A_28, %mul3A_27] : memref<2x320000xi32, #tpu.memory_space<hbm>> -> memref<2x128xi32, #tpu.memory_space<hbm>>
    %dma_start3A_30 = arith.constant 0 : i32
    %dma_start3A_31 = tpu.memref_slice %arg2[%dma_start3A_30, %mul3A_27] : memref<2x320000xi32, #tpu.memory_space<hbm>> -> memref<2x128xi32, #tpu.memory_space<hbm>>
    tpu.enqueue_dma source(%dma_start3A_31 : memref<2x128xi32, #tpu.memory_space<hbm>>) target(%arg8 : memref<2x128xi32, #tpu.memory_space<vmem>>) target_semaphore(%arg16 : memref<!tpu.dma_semaphore, #tpu.memory_space<semaphore_mem>>)
    %broadcast_in_dim3A = arith.constant 0.000000e+00 : f32
    %broadcast_in_dim3A_32 = vector.broadcast %broadcast_in_dim3A : f32 to vector<16xf32>
    %scan3A = arith.constant 0 : i32
    %scan3A_33 = arith.constant 0 : i32
    %scan3A_34 = arith.constant 80 : i32
    %scan3A_35 = arith.addi %scan3A_33, %scan3A_34 : i32
    %scan3A_36 = arith.constant 1 : i32
    %scan3A_37 = scf.for %scan3A_108 = %scan3A_33 to %scan3A_35 step %scan3A_36 iter_args(%scan3A_109 = %scan3A) -> (i32)  : i32 {
      %swap3A = arith.index_cast %scan3A_108 : i32 to index
      %swap3A_110 = arith.constant 0 : index
      %swap3A_111 = tpu.vector_load %arg11[%swap3A, %swap3A_110] {strides = array<i32>} : memref<80x128xf32, #tpu.memory_space<vmem>>, vector<1x16xf32>,
      %swap3A_112 = vector.shape_cast %swap3A_111 : vector<1x16xf32> to vector<16xf32>
      %swap3A_113 = vector.shape_cast %broadcast_in_dim3A_32 : vector<16xf32> to vector<1x16xf32>
      tpu.vector_store %arg11[%swap3A, %swap3A_110], %swap3A_113 {strides = array<i32>} : memref<80x128xf32, #tpu.memory_space<vmem>>, vector<1x16xf32>,
      %swap3A_114 = arith.index_cast %scan3A_108 : i32 to index
      %swap3A_115 = arith.constant 16 : index
      %swap3A_116 = tpu.vector_load %arg11[%swap3A_114, %swap3A_115] {strides = array<i32>} : memref<80x128xf32, #tpu.memory_space<vmem>>, vector<1x16xf32>,
      %swap3A_117 = vector.shape_cast %swap3A_116 : vector<1x16xf32> to vector<16xf32>
      %swap3A_118 = vector.shape_cast %broadcast_in_dim3A_32 : vector<16xf32> to vector<1x16xf32>
      tpu.vector_store %arg11[%swap3A_114, %swap3A_115], %swap3A_118 {strides = array<i32>} : memref<80x128xf32, #tpu.memory_space<vmem>>, vector<1x16xf32>,
      %swap3A_119 = arith.index_cast %scan3A_108 : i32 to index
      %swap3A_120 = arith.constant 32 : index
      %swap3A_121 = tpu.vector_load %arg11[%swap3A_119, %swap3A_120] {strides = array<i32>} : memref<80x128xf32, #tpu.memory_space<vmem>>, vector<1x16xf32>,
      %swap3A_122 = vector.shape_cast %swap3A_121 : vector<1x16xf32> to vector<16xf32>
      %swap3A_123 = vector.shape_cast %broadcast_in_dim3A_32 : vector<16xf32> to vector<1x16xf32>
      tpu.vector_store %arg11[%swap3A_119, %swap3A_120], %swap3A_123 {strides = array<i32>} : memref<80x128xf32, #tpu.memory_space<vmem>>, vector<1x16xf32>,
      %swap3A_124 = arith.index_cast %scan3A_108 : i32 to index
      %swap3A_125 = arith.constant 48 : index
      %swap3A_126 = tpu.vector_load %arg11[%swap3A_124, %swap3A_125] {strides = array<i32>} : memref<80x128xf32, #tpu.memory_space<vmem>>, vector<1x16xf32>,
      %swap3A_127 = vector.shape_cast %swap3A_126 : vector<1x16xf32> to vector<16xf32>
      %swap3A_128 = vector.shape_cast %broadcast_in_dim3A_32 : vector<16xf32> to vector<1x16xf32>
      tpu.vector_store %arg11[%swap3A_124, %swap3A_125], %swap3A_128 {strides = array<i32>} : memref<80x128xf32, #tpu.memory_space<vmem>>, vector<1x16xf32>,
      %swap3A_129 = arith.index_cast %scan3A_108 : i32 to index
      %swap3A_130 = arith.constant 64 : index
      %swap3A_131 = tpu.vector_load %arg11[%swap3A_129, %swap3A_130] {strides = array<i32>} : memref<80x128xf32, #tpu.memory_space<vmem>>, vector<1x16xf32>,
      %swap3A_132 = vector.shape_cast %swap3A_131 : vector<1x16xf32> to vector<16xf32>
      %swap3A_133 = vector.shape_cast %broadcast_in_dim3A_32 : vector<16xf32> to vector<1x16xf32>
      tpu.vector_store %arg11[%swap3A_129, %swap3A_130], %swap3A_133 {strides = array<i32>} : memref<80x128xf32, #tpu.memory_space<vmem>>, vector<1x16xf32>,
      %swap3A_134 = arith.index_cast %scan3A_108 : i32 to index
      %swap3A_135 = arith.constant 80 : index
      %swap3A_136 = tpu.vector_load %arg11[%swap3A_134, %swap3A_135] {strides = array<i32>} : memref<80x128xf32, #tpu.memory_space<vmem>>, vector<1x16xf32>,
      %swap3A_137 = vector.shape_cast %swap3A_136 : vector<1x16xf32> to vector<16xf32>
      %swap3A_138 = vector.shape_cast %broadcast_in_dim3A_32 : vector<16xf32> to vector<1x16xf32>
      tpu.vector_store %arg11[%swap3A_134, %swap3A_135], %swap3A_138 {strides = array<i32>} : memref<80x128xf32, #tpu.memory_space<vmem>>, vector<1x16xf32>,
      %swap3A_139 = arith.index_cast %scan3A_108 : i32 to index
      %swap3A_140 = arith.constant 96 : index
      %swap3A_141 = tpu.vector_load %arg11[%swap3A_139, %swap3A_140] {strides = array<i32>} : memref<80x128xf32, #tpu.memory_space<vmem>>, vector<1x16xf32>,
      %swap3A_142 = vector.shape_cast %swap3A_141 : vector<1x16xf32> to vector<16xf32>
      %swap3A_143 = vector.shape_cast %broadcast_in_dim3A_32 : vector<16xf32> to vector<1x16xf32>
      tpu.vector_store %arg11[%swap3A_139, %swap3A_140], %swap3A_143 {strides = array<i32>} : memref<80x128xf32, #tpu.memory_space<vmem>>, vector<1x16xf32>,
      %swap3A_144 = arith.index_cast %scan3A_108 : i32 to index
      %swap3A_145 = arith.constant 112 : index
      %swap3A_146 = tpu.vector_load %arg11[%swap3A_144, %swap3A_145] {strides = array<i32>} : memref<80x128xf32, #tpu.memory_space<vmem>>, vector<1x16xf32>,
      %swap3A_147 = vector.shape_cast %swap3A_146 : vector<1x16xf32> to vector<16xf32>
      %swap3A_148 = vector.shape_cast %broadcast_in_dim3A_32 : vector<16xf32> to vector<1x16xf32>
      tpu.vector_store %arg11[%swap3A_144, %swap3A_145], %swap3A_148 {strides = array<i32>} : memref<80x128xf32, #tpu.memory_space<vmem>>, vector<1x16xf32>,
      %scan3A_149 = arith.constant 0 : i32
      scf.yield %scan3A_149 : i32
    }
    %scan3A_38 = arith.constant 80 : i32
    %dma_wait3A = arith.constant 0 : i32
    %dma_wait3A_39 = arith.constant 0 : i32
    %dma_wait3A_40 = tpu.memref_slice %arg2[%dma_wait3A, %dma_wait3A_39] : memref<2x320000xi32, #tpu.memory_space<hbm>> -> memref<2x128xi32, #tpu.memory_space<hbm>>
    %dma_wait3A_41 = arith.constant 0 : i32
    %dma_wait3A_42 = arith.constant 0 : i32
    %dma_wait3A_43 = tpu.memref_slice %arg2[%dma_wait3A_41, %dma_wait3A_42] : memref<2x320000xi32, #tpu.memory_space<hbm>> -> memref<2x128xi32, #tpu.memory_space<hbm>>
    tpu.wait_dma2 semaphore(%arg13 : memref<!tpu.dma_semaphore, #tpu.memory_space<semaphore_mem>>) src(%dma_wait3A_43 : memref<2x128xi32, #tpu.memory_space<hbm>>) dst(%arg5 : memref<2x128xi32, #tpu.memory_space<vmem>>)
    %dma_start3A_44 = arith.constant 0 : i32
    %dma_start3A_45 = arith.constant 0 : i32
    %dma_start3A_46 = tpu.memref_slice %arg5[%dma_start3A_44, %dma_start3A_45] : memref<2x128xi32, #tpu.memory_space<vmem>> -> memref<1x128xi32, #tpu.memory_space<vmem>>
    %dma_start3A_47 = tpu.memref_squeeze %dma_start3A_46 : memref<1x128xi32, #tpu.memory_space<vmem>> -> memref<128xi32, #tpu.memory_space<vmem>>
    %dma_start3A_48 = arith.constant 0 : i32
    %dma_start3A_49 = arith.constant 0 : i32
    %dma_start3A_50 = tpu.memref_slice %arg3[%dma_start3A_48, %dma_start3A_49] : memref<10000x128xf32, #tpu.memory_space<hbm>> -> memref<10000x128xf32, #tpu.memory_space<hbm>>
    tpu.enqueue_indirect_dma source(%dma_start3A_50 : memref<10000x128xf32, #tpu.memory_space<hbm>>) target(%arg9 : memref<128x128xf32, #tpu.memory_space<vmem>>) offsets(%dma_start3A_47 : memref<128xi32, #tpu.memory_space<vmem>>) semaphore(%arg17 : memref<!tpu.dma_semaphore, #tpu.memory_space<semaphore_mem>>)
    %dma_wait3A_51 = arith.constant 0 : i32
    %dma_wait3A_52 = arith.constant 0 : i32
    %dma_wait3A_53 = tpu.memref_slice %arg2[%dma_wait3A_51, %dma_wait3A_52] : memref<2x320000xi32, #tpu.memory_space<hbm>> -> memref<2x128xi32, #tpu.memory_space<hbm>>
    %dma_wait3A_54 = arith.constant 0 : i32
    %dma_wait3A_55 = arith.constant 0 : i32
    %dma_wait3A_56 = tpu.memref_slice %arg2[%dma_wait3A_54, %dma_wait3A_55] : memref<2x320000xi32, #tpu.memory_space<hbm>> -> memref<2x128xi32, #tpu.memory_space<hbm>>
    tpu.wait_dma2 semaphore(%arg14 : memref<!tpu.dma_semaphore, #tpu.memory_space<semaphore_mem>>) src(%dma_wait3A_56 : memref<2x128xi32, #tpu.memory_space<hbm>>) dst(%arg6 : memref<2x128xi32, #tpu.memory_space<vmem>>)
    %dma_start3A_57 = arith.constant 0 : i32
    %dma_start3A_58 = arith.constant 0 : i32
    %dma_start3A_59 = tpu.memref_slice %arg6[%dma_start3A_57, %dma_start3A_58] : memref<2x128xi32, #tpu.memory_space<vmem>> -> memref<1x128xi32, #tpu.memory_space<vmem>>
    %dma_start3A_60 = tpu.memref_squeeze %dma_start3A_59 : memref<1x128xi32, #tpu.memory_space<vmem>> -> memref<128xi32, #tpu.memory_space<vmem>>
    %dma_start3A_61 = arith.constant 0 : i32
    %dma_start3A_62 = arith.constant 0 : i32
    %dma_start3A_63 = tpu.memref_slice %arg3[%dma_start3A_61, %dma_start3A_62] : memref<10000x128xf32, #tpu.memory_space<hbm>> -> memref<10000x128xf32, #tpu.memory_space<hbm>>
    tpu.enqueue_indirect_dma source(%dma_start3A_63 : memref<10000x128xf32, #tpu.memory_space<hbm>>) target(%arg10 : memref<128x128xf32, #tpu.memory_space<vmem>>) offsets(%dma_start3A_60 : memref<128xi32, #tpu.memory_space<vmem>>) semaphore(%arg18 : memref<!tpu.dma_semaphore, #tpu.memory_space<semaphore_mem>>)
    %mul3A_64 = arith.constant 640 : i32
    %mul3A_65 = arith.muli %arg1, %mul3A_64 : i32
    %add3A_66 = arith.constant 0 : i32
    %add3A_67 = arith.addi %mul3A_65, %add3A_66 : i32
    "tpu.region"() ({
      %run_scoped3A = tpu.sem_alloc : memref<!tpu.dma_semaphore, #tpu.memory_space<semaphore_mem>>
      %dma_start3A_108 = arith.constant 0 : i32
      %dma_start3A_109 = tpu.memref_slice %arg12[%add3A_67, %dma_start3A_108] : memref<10240x128xf32, #tpu.memory_space<vmem_shared>> -> memref<80x128xf32, #tpu.memory_space<vmem_shared>>
      %dma_start3A_110 = arith.constant 0 : i32
      %dma_start3A_111 = tpu.memref_slice %arg12[%add3A_67, %dma_start3A_110] : memref<10240x128xf32, #tpu.memory_space<vmem_shared>> -> memref<80x128xf32, #tpu.memory_space<vmem_shared>>
      tpu.enqueue_dma source(%arg11 : memref<80x128xf32, #tpu.memory_space<vmem>>) target(%dma_start3A_111 : memref<80x128xf32, #tpu.memory_space<vmem_shared>>) target_semaphore(%run_scoped3A : memref<!tpu.dma_semaphore, #tpu.memory_space<semaphore_mem>>)
      %dma_wait3A_112 = arith.constant 0 : i32
      %dma_wait3A_113 = tpu.memref_slice %arg12[%add3A_67, %dma_wait3A_112] : memref<10240x128xf32, #tpu.memory_space<vmem_shared>> -> memref<80x128xf32, #tpu.memory_space<vmem_shared>>
      %dma_wait3A_114 = arith.constant 0 : i32
      %dma_wait3A_115 = tpu.memref_slice %arg12[%add3A_67, %dma_wait3A_114] : memref<10240x128xf32, #tpu.memory_space<vmem_shared>> -> memref<80x128xf32, #tpu.memory_space<vmem_shared>>
      tpu.wait_dma2 semaphore(%run_scoped3A : memref<!tpu.dma_semaphore, #tpu.memory_space<semaphore_mem>>) src(%arg11 : memref<80x128xf32, #tpu.memory_space<vmem>>) dst(%dma_wait3A_115 : memref<80x128xf32, #tpu.memory_space<vmem_shared>>)
      tpu.yield
    }) : () -> ()
    %mul3A_68 = arith.constant 640 : i32
    %mul3A_69 = arith.muli %arg1, %mul3A_68 : i32
    %add3A_70 = arith.constant 80 : i32
    %add3A_71 = arith.addi %mul3A_69, %add3A_70 : i32
    "tpu.region"() ({
      %run_scoped3A = tpu.sem_alloc : memref<!tpu.dma_semaphore, #tpu.memory_space<semaphore_mem>>
      %dma_start3A_108 = arith.constant 0 : i32
      %dma_start3A_109 = tpu.memref_slice %arg12[%add3A_71, %dma_start3A_108] : memref<10240x128xf32, #tpu.memory_space<vmem_shared>> -> memref<80x128xf32, #tpu.memory_space<vmem_shared>>
      %dma_start3A_110 = arith.constant 0 : i32
      %dma_start3A_111 = tpu.memref_slice %arg12[%add3A_71, %dma_start3A_110] : memref<10240x128xf32, #tpu.memory_space<vmem_shared>> -> memref<80x128xf32, #tpu.memory_space<vmem_shared>>
      tpu.enqueue_dma source(%arg11 : memref<80x128xf32, #tpu.memory_space<vmem>>) target(%dma_start3A_111 : memref<80x128xf32, #tpu.memory_space<vmem_shared>>) target_semaphore(%run_scoped3A : memref<!tpu.dma_semaphore, #tpu.memory_space<semaphore_mem>>)
      %dma_wait3A_112 = arith.constant 0 : i32
      %dma_wait3A_113 = tpu.memref_slice %arg12[%add3A_71, %dma_wait3A_112] : memref<10240x128xf32, #tpu.memory_space<vmem_shared>> -> memref<80x128xf32, #tpu.memory_space<vmem_shared>>
      %dma_wait3A_114 = arith.constant 0 : i32
      %dma_wait3A_115 = tpu.memref_slice %arg12[%add3A_71, %dma_wait3A_114] : memref<10240x128xf32, #tpu.memory_space<vmem_shared>> -> memref<80x128xf32, #tpu.memory_space<vmem_shared>>
      tpu.wait_dma2 semaphore(%run_scoped3A : memref<!tpu.dma_semaphore, #tpu.memory_space<semaphore_mem>>) src(%arg11 : memref<80x128xf32, #tpu.memory_space<vmem>>) dst(%dma_wait3A_115 : memref<80x128xf32, #tpu.memory_space<vmem_shared>>)
      tpu.yield
    }) : () -> ()
    %mul3A_72 = arith.constant 640 : i32
    %mul3A_73 = arith.muli %arg1, %mul3A_72 : i32
    %add3A_74 = arith.constant 160 : i32
    %add3A_75 = arith.addi %mul3A_73, %add3A_74 : i32
    "tpu.region"() ({
      %run_scoped3A = tpu.sem_alloc : memref<!tpu.dma_semaphore, #tpu.memory_space<semaphore_mem>>
      %dma_start3A_108 = arith.constant 0 : i32
      %dma_start3A_109 = tpu.memref_slice %arg12[%add3A_75, %dma_start3A_108] : memref<10240x128xf32, #tpu.memory_space<vmem_shared>> -> memref<80x128xf32, #tpu.memory_space<vmem_shared>>
      %dma_start3A_110 = arith.constant 0 : i32
      %dma_start3A_111 = tpu.memref_slice %arg12[%add3A_75, %dma_start3A_110] : memref<10240x128xf32, #tpu.memory_space<vmem_shared>> -> memref<80x128xf32, #tpu.memory_space<vmem_shared>>
      tpu.enqueue_dma source(%arg11 : memref<80x128xf32, #tpu.memory_space<vmem>>) target(%dma_start3A_111 : memref<80x128xf32, #tpu.memory_space<vmem_shared>>) target_semaphore(%run_scoped3A : memref<!tpu.dma_semaphore, #tpu.memory_space<semaphore_mem>>)
      %dma_wait3A_112 = arith.constant 0 : i32
      %dma_wait3A_113 = tpu.memref_slice %arg12[%add3A_75, %dma_wait3A_112] : memref<10240x128xf32, #tpu.memory_space<vmem_shared>> -> memref<80x128xf32, #tpu.memory_space<vmem_shared>>
      %dma_wait3A_114 = arith.constant 0 : i32
      %dma_wait3A_115 = tpu.memref_slice %arg12[%add3A_75, %dma_wait3A_114] : memref<10240x128xf32, #tpu.memory_space<vmem_shared>> -> memref<80x128xf32, #tpu.memory_space<vmem_shared>>
      tpu.wait_dma2 semaphore(%run_scoped3A : memref<!tpu.dma_semaphore, #tpu.memory_space<semaphore_mem>>) src(%arg11 : memref<80x128xf32, #tpu.memory_space<vmem>>) dst(%dma_wait3A_115 : memref<80x128xf32, #tpu.memory_space<vmem_shared>>)
      tpu.yield
    }) : () -> ()
    %mul3A_76 = arith.constant 640 : i32
    %mul3A_77 = arith.muli %arg1, %mul3A_76 : i32
    %add3A_78 = arith.constant 240 : i32
    %add3A_79 = arith.addi %mul3A_77, %add3A_78 : i32
    "tpu.region"() ({
      %run_scoped3A = tpu.sem_alloc : memref<!tpu.dma_semaphore, #tpu.memory_space<semaphore_mem>>
      %dma_start3A_108 = arith.constant 0 : i32
      %dma_start3A_109 = tpu.memref_slice %arg12[%add3A_79, %dma_start3A_108] : memref<10240x128xf32, #tpu.memory_space<vmem_shared>> -> memref<80x128xf32, #tpu.memory_space<vmem_shared>>
      %dma_start3A_110 = arith.constant 0 : i32
      %dma_start3A_111 = tpu.memref_slice %arg12[%add3A_79, %dma_start3A_110] : memref<10240x128xf32, #tpu.memory_space<vmem_shared>> -> memref<80x128xf32, #tpu.memory_space<vmem_shared>>
      tpu.enqueue_dma source(%arg11 : memref<80x128xf32, #tpu.memory_space<vmem>>) target(%dma_start3A_111 : memref<80x128xf32, #tpu.memory_space<vmem_shared>>) target_semaphore(%run_scoped3A : memref<!tpu.dma_semaphore, #tpu.memory_space<semaphore_mem>>)
      %dma_wait3A_112 = arith.constant 0 : i32
      %dma_wait3A_113 = tpu.memref_slice %arg12[%add3A_79, %dma_wait3A_112] : memref<10240x128xf32, #tpu.memory_space<vmem_shared>> -> memref<80x128xf32, #tpu.memory_space<vmem_shared>>
      %dma_wait3A_114 = arith.constant 0 : i32
      %dma_wait3A_115 = tpu.memref_slice %arg12[%add3A_79, %dma_wait3A_114] : memref<10240x128xf32, #tpu.memory_space<vmem_shared>> -> memref<80x128xf32, #tpu.memory_space<vmem_shared>>
      tpu.wait_dma2 semaphore(%run_scoped3A : memref<!tpu.dma_semaphore, #tpu.memory_space<semaphore_mem>>) src(%arg11 : memref<80x128xf32, #tpu.memory_space<vmem>>) dst(%dma_wait3A_115 : memref<80x128xf32, #tpu.memory_space<vmem_shared>>)
      tpu.yield
    }) : () -> ()
    %mul3A_80 = arith.constant 640 : i32
    %mul3A_81 = arith.muli %arg1, %mul3A_80 : i32
    %add3A_82 = arith.constant 320 : i32
    %add3A_83 = arith.addi %mul3A_81, %add3A_82 : i32
    "tpu.region"() ({
      %run_scoped3A = tpu.sem_alloc : memref<!tpu.dma_semaphore, #tpu.memory_space<semaphore_mem>>
      %dma_start3A_108 = arith.constant 0 : i32
      %dma_start3A_109 = tpu.memref_slice %arg12[%add3A_83, %dma_start3A_108] : memref<10240x128xf32, #tpu.memory_space<vmem_shared>> -> memref<80x128xf32, #tpu.memory_space<vmem_shared>>
      %dma_start3A_110 = arith.constant 0 : i32
      %dma_start3A_111 = tpu.memref_slice %arg12[%add3A_83, %dma_start3A_110] : memref<10240x128xf32, #tpu.memory_space<vmem_shared>> -> memref<80x128xf32, #tpu.memory_space<vmem_shared>>
      tpu.enqueue_dma source(%arg11 : memref<80x128xf32, #tpu.memory_space<vmem>>) target(%dma_start3A_111 : memref<80x128xf32, #tpu.memory_space<vmem_shared>>) target_semaphore(%run_scoped3A : memref<!tpu.dma_semaphore, #tpu.memory_space<semaphore_mem>>)
      %dma_wait3A_112 = arith.constant 0 : i32
      %dma_wait3A_113 = tpu.memref_slice %arg12[%add3A_83, %dma_wait3A_112] : memref<10240x128xf32, #tpu.memory_space<vmem_shared>> -> memref<80x128xf32, #tpu.memory_space<vmem_shared>>
      %dma_wait3A_114 = arith.constant 0 : i32
      %dma_wait3A_115 = tpu.memref_slice %arg12[%add3A_83, %dma_wait3A_114] : memref<10240x128xf32, #tpu.memory_space<vmem_shared>> -> memref<80x128xf32, #tpu.memory_space<vmem_shared>>
      tpu.wait_dma2 semaphore(%run_scoped3A : memref<!tpu.dma_semaphore, #tpu.memory_space<semaphore_mem>>) src(%arg11 : memref<80x128xf32, #tpu.memory_space<vmem>>) dst(%dma_wait3A_115 : memref<80x128xf32, #tpu.memory_space<vmem_shared>>)
      tpu.yield
    }) : () -> ()
    %mul3A_84 = arith.constant 640 : i32
    %mul3A_85 = arith.muli %arg1, %mul3A_84 : i32
    %add3A_86 = arith.constant 400 : i32
    %add3A_87 = arith.addi %mul3A_85, %add3A_86 : i32
    "tpu.region"() ({
      %run_scoped3A = tpu.sem_alloc : memref<!tpu.dma_semaphore, #tpu.memory_space<semaphore_mem>>
      %dma_start3A_108 = arith.constant 0 : i32
      %dma_start3A_109 = tpu.memref_slice %arg12[%add3A_87, %dma_start3A_108] : memref<10240x128xf32, #tpu.memory_space<vmem_shared>> -> memref<80x128xf32, #tpu.memory_space<vmem_shared>>
      %dma_start3A_110 = arith.constant 0 : i32
      %dma_start3A_111 = tpu.memref_slice %arg12[%add3A_87, %dma_start3A_110] : memref<10240x128xf32, #tpu.memory_space<vmem_shared>> -> memref<80x128xf32, #tpu.memory_space<vmem_shared>>
      tpu.enqueue_dma source(%arg11 : memref<80x128xf32, #tpu.memory_space<vmem>>) target(%dma_start3A_111 : memref<80x128xf32, #tpu.memory_space<vmem_shared>>) target_semaphore(%run_scoped3A : memref<!tpu.dma_semaphore, #tpu.memory_space<semaphore_mem>>)
      %dma_wait3A_112 = arith.constant 0 : i32
      %dma_wait3A_113 = tpu.memref_slice %arg12[%add3A_87, %dma_wait3A_112] : memref<10240x128xf32, #tpu.memory_space<vmem_shared>> -> memref<80x128xf32, #tpu.memory_space<vmem_shared>>
      %dma_wait3A_114 = arith.constant 0 : i32
      %dma_wait3A_115 = tpu.memref_slice %arg12[%add3A_87, %dma_wait3A_114] : memref<10240x128xf32, #tpu.memory_space<vmem_shared>> -> memref<80x128xf32, #tpu.memory_space<vmem_shared>>
      tpu.wait_dma2 semaphore(%run_scoped3A : memref<!tpu.dma_semaphore, #tpu.memory_space<semaphore_mem>>) src(%arg11 : memref<80x128xf32, #tpu.memory_space<vmem>>) dst(%dma_wait3A_115 : memref<80x128xf32, #tpu.memory_space<vmem_shared>>)
      tpu.yield
    }) : () -> ()
    %mul3A_88 = arith.constant 640 : i32
    %mul3A_89 = arith.muli %arg1, %mul3A_88 : i32
    %add3A_90 = arith.constant 480 : i32
    %add3A_91 = arith.addi %mul3A_89, %add3A_90 : i32
    "tpu.region"() ({
      %run_scoped3A = tpu.sem_alloc : memref<!tpu.dma_semaphore, #tpu.memory_space<semaphore_mem>>
      %dma_start3A_108 = arith.constant 0 : i32
      %dma_start3A_109 = tpu.memref_slice %arg12[%add3A_91, %dma_start3A_108] : memref<10240x128xf32, #tpu.memory_space<vmem_shared>> -> memref<80x128xf32, #tpu.memory_space<vmem_shared>>
      %dma_start3A_110 = arith.constant 0 : i32
      %dma_start3A_111 = tpu.memref_slice %arg12[%add3A_91, %dma_start3A_110] : memref<10240x128xf32, #tpu.memory_space<vmem_shared>> -> memref<80x128xf32, #tpu.memory_space<vmem_shared>>
      tpu.enqueue_dma source(%arg11 : memref<80x128xf32, #tpu.memory_space<vmem>>) target(%dma_start3A_111 : memref<80x128xf32, #tpu.memory_space<vmem_shared>>) target_semaphore(%run_scoped3A : memref<!tpu.dma_semaphore, #tpu.memory_space<semaphore_mem>>)
      %dma_wait3A_112 = arith.constant 0 : i32
      %dma_wait3A_113 = tpu.memref_slice %arg12[%add3A_91, %dma_wait3A_112] : memref<10240x128xf32, #tpu.memory_space<vmem_shared>> -> memref<80x128xf32, #tpu.memory_space<vmem_shared>>
      %dma_wait3A_114 = arith.constant 0 : i32
      %dma_wait3A_115 = tpu.memref_slice %arg12[%add3A_91, %dma_wait3A_114] : memref<10240x128xf32, #tpu.memory_space<vmem_shared>> -> memref<80x128xf32, #tpu.memory_space<vmem_shared>>
      tpu.wait_dma2 semaphore(%run_scoped3A : memref<!tpu.dma_semaphore, #tpu.memory_space<semaphore_mem>>) src(%arg11 : memref<80x128xf32, #tpu.memory_space<vmem>>) dst(%dma_wait3A_115 : memref<80x128xf32, #tpu.memory_space<vmem_shared>>)
      tpu.yield
    }) : () -> ()
    %mul3A_92 = arith.constant 640 : i32
    %mul3A_93 = arith.muli %arg1, %mul3A_92 : i32
    %add3A_94 = arith.constant 560 : i32
    %add3A_95 = arith.addi %mul3A_93, %add3A_94 : i32
    "tpu.region"() ({
      %run_scoped3A = tpu.sem_alloc : memref<!tpu.dma_semaphore, #tpu.memory_space<semaphore_mem>>
      %dma_start3A_108 = arith.constant 0 : i32
      %dma_start3A_109 = tpu.memref_slice %arg12[%add3A_95, %dma_start3A_108] : memref<10240x128xf32, #tpu.memory_space<vmem_shared>> -> memref<80x128xf32, #tpu.memory_space<vmem_shared>>
      %dma_start3A_110 = arith.constant 0 : i32
      %dma_start3A_111 = tpu.memref_slice %arg12[%add3A_95, %dma_start3A_110] : memref<10240x128xf32, #tpu.memory_space<vmem_shared>> -> memref<80x128xf32, #tpu.memory_space<vmem_shared>>
      tpu.enqueue_dma source(%arg11 : memref<80x128xf32, #tpu.memory_space<vmem>>) target(%dma_start3A_111 : memref<80x128xf32, #tpu.memory_space<vmem_shared>>) target_semaphore(%run_scoped3A : memref<!tpu.dma_semaphore, #tpu.memory_space<semaphore_mem>>)
      %dma_wait3A_112 = arith.constant 0 : i32
      %dma_wait3A_113 = tpu.memref_slice %arg12[%add3A_95, %dma_wait3A_112] : memref<10240x128xf32, #tpu.memory_space<vmem_shared>> -> memref<80x128xf32, #tpu.memory_space<vmem_shared>>
      %dma_wait3A_114 = arith.constant 0 : i32
      %dma_wait3A_115 = tpu.memref_slice %arg12[%add3A_95, %dma_wait3A_114] : memref<10240x128xf32, #tpu.memory_space<vmem_shared>> -> memref<80x128xf32, #tpu.memory_space<vmem_shared>>
      tpu.wait_dma2 semaphore(%run_scoped3A : memref<!tpu.dma_semaphore, #tpu.memory_space<semaphore_mem>>) src(%arg11 : memref<80x128xf32, #tpu.memory_space<vmem>>) dst(%dma_wait3A_115 : memref<80x128xf32, #tpu.memory_space<vmem_shared>>)
      tpu.yield
    }) : () -> ()
    %barrier3A = arith.constant 0 : index
    tpu.barrier barrier_id(%barrier3A)
    %scan3A_96 = arith.constant 0 : i32
    %scan3A_97 = arith.constant 0 : i32
    %scan3A_98 = arith.constant 20 : i32
    %scan3A_99 = arith.addi %scan3A_97, %scan3A_98 : i32
    %scan3A_100 = arith.constant 1 : i32
    %scan3A_101 = scf.for %scan3A_108 = %scan3A_97 to %scan3A_99 step %scan3A_100 iter_args(%scan3A_109 = %scan3A_96) -> (i32)  : i32 {
      %mul3A_110 = arith.constant 4 : i32
      %mul3A_111 = arith.muli %mul3A_110, %scan3A_108 : i32
      %add3A_112 = arith.constant 0 : i32
      %add3A_113 = arith.addi %mul3A_111, %add3A_112 : i32
      %mul3A_114 = arith.constant 32 : i32
      %mul3A_115 = arith.muli %mul3A_114, %add3A_113 : i32
      %add3A_116 = arith.addi %add3A, %mul3A_115 : i32
      %lt3A = arith.constant 2500 : i32
      %lt3A_117 = arith.cmpi slt, %add3A_116, %lt3A : i32
      %convert_element_type3A = arith.extui %lt3A_117 : i1 to i32
      %cond3A = arith.constant 0 : i32
      %cond3A_118 = arith.cmpi ne, %convert_element_type3A, %cond3A : i32
      scf.if %cond3A_118 {
        %dma_wait3A_230 = arith.constant 0 : i32
        %dma_wait3A_231 = arith.constant 0 : i32
        %dma_wait3A_232 = tpu.memref_slice %arg5[%dma_wait3A_230, %dma_wait3A_231] : memref<2x128xi32, #tpu.memory_space<vmem>> -> memref<1x128xi32, #tpu.memory_space<vmem>>
        %dma_wait3A_233 = tpu.memref_squeeze %dma_wait3A_232 : memref<1x128xi32, #tpu.memory_space<vmem>> -> memref<128xi32, #tpu.memory_space<vmem>>
        %dma_wait3A_234 = arith.constant 0 : i32
        %dma_wait3A_235 = arith.constant 0 : i32
        %dma_wait3A_236 = tpu.memref_slice %arg3[%dma_wait3A_234, %dma_wait3A_235] : memref<10000x128xf32, #tpu.memory_space<hbm>> -> memref<10000x128xf32, #tpu.memory_space<hbm>>
        tpu.wait_indirect_dma semaphore(%arg17 : memref<!tpu.dma_semaphore, #tpu.memory_space<semaphore_mem>>) src(%dma_wait3A_236 : memref<10000x128xf32, #tpu.memory_space<hbm>>) dst(%arg9 : memref<128x128xf32, #tpu.memory_space<vmem>>)
        %run_scoped3A = arith.constant 1 : i32
        "tpu.region"() ({
          %run_scoped3A_237 = tpu.sem_alloc : memref<!tpu.dma_semaphore, #tpu.memory_space<semaphore_mem>>
          %dma_start3A_238 = arith.constant 0 : i32
          %dma_start3A_239 = tpu.memref_slice %arg5[%run_scoped3A, %dma_start3A_238] : memref<2x128xi32, #tpu.memory_space<vmem>> -> memref<1x128xi32, #tpu.memory_space<vmem>>
          %dma_start3A_240 = tpu.memref_squeeze %dma_start3A_239 : memref<1x128xi32, #tpu.memory_space<vmem>> -> memref<128xi32, #tpu.memory_space<vmem>>
          %dma_start3A_241 = arith.constant 0 : i32
          %dma_start3A_242 = arith.constant 0 : i32
          %dma_start3A_243 = tpu.memref_slice %arg12[%dma_start3A_241, %dma_start3A_242] : memref<10240x128xf32, #tpu.memory_space<vmem_shared>> -> memref<10240x128xf32, #tpu.memory_space<vmem_shared>>
          tpu.enqueue_indirect_dma source(%arg9 : memref<128x128xf32, #tpu.memory_space<vmem>>) target(%dma_start3A_243 : memref<10240x128xf32, #tpu.memory_space<vmem_shared>>) offsets(%dma_start3A_240 : memref<128xi32, #tpu.memory_space<vmem>>) semaphore(%run_scoped3A_237 : memref<!tpu.dma_semaphore, #tpu.memory_space<semaphore_mem>>) {add = true}
          %dma_wait3A_244 = arith.constant 0 : i32
          %dma_wait3A_245 = tpu.memref_slice %arg5[%run_scoped3A, %dma_wait3A_244] : memref<2x128xi32, #tpu.memory_space<vmem>> -> memref<1x128xi32, #tpu.memory_space<vmem>>
          %dma_wait3A_246 = tpu.memref_squeeze %dma_wait3A_245 : memref<1x128xi32, #tpu.memory_space<vmem>> -> memref<128xi32, #tpu.memory_space<vmem>>
          %dma_wait3A_247 = arith.constant 0 : i32
          %dma_wait3A_248 = arith.constant 0 : i32
          %dma_wait3A_249 = tpu.memref_slice %arg12[%dma_wait3A_247, %dma_wait3A_248] : memref<10240x128xf32, #tpu.memory_space<vmem_shared>> -> memref<10240x128xf32, #tpu.memory_space<vmem_shared>>
          tpu.wait_indirect_dma semaphore(%run_scoped3A_237 : memref<!tpu.dma_semaphore, #tpu.memory_space<semaphore_mem>>) src(%arg9 : memref<128x128xf32, #tpu.memory_space<vmem>>) dst(%dma_wait3A_249 : memref<10240x128xf32, #tpu.memory_space<vmem_shared>>)
          tpu.yield
        }) : () -> ()
      } else {
      }
      %add3A_119 = arith.constant 4 : i32
      %add3A_120 = arith.addi %add3A_113, %add3A_119 : i32
      %mul3A_121 = arith.constant 32 : i32
      %mul3A_122 = arith.muli %mul3A_121, %add3A_120 : i32
      %add3A_123 = arith.addi %add3A, %mul3A_122 : i32
      %lt3A_124 = arith.constant 2500 : i32
      %lt3A_125 = arith.cmpi slt, %add3A_123, %lt3A_124 : i32
      %convert_element_type3A_126 = arith.extui %lt3A_125 : i1 to i32
      %cond3A_127 = arith.constant 0 : i32
      %cond3A_128 = arith.cmpi ne, %convert_element_type3A_126, %cond3A_127 : i32
      scf.if %cond3A_128 {
        %add3A_230 = arith.constant 4 : i32
        %add3A_231 = arith.addi %add3A_113, %add3A_230 : i32
        %mul3A_232 = arith.constant 32 : i32
        %mul3A_233 = arith.muli %mul3A_232, %add3A_231 : i32
        %add3A_234 = arith.addi %add3A, %mul3A_233 : i32
        %mul3A_235 = arith.constant 128 : i32
        %mul3A_236 = arith.muli %add3A_234, %mul3A_235 : i32
        %dma_start3A_237 = arith.constant 0 : i32
        %dma_start3A_238 = tpu.memref_slice %arg2[%dma_start3A_237, %mul3A_236] : memref<2x320000xi32, #tpu.memory_space<hbm>> -> memref<2x128xi32, #tpu.memory_space<hbm>>
        %dma_start3A_239 = arith.constant 0 : i32
        %dma_start3A_240 = tpu.memref_slice %arg2[%dma_start3A_239, %mul3A_236] : memref<2x320000xi32, #tpu.memory_space<hbm>> -> memref<2x128xi32, #tpu.memory_space<hbm>>
        tpu.enqueue_dma source(%dma_start3A_240 : memref<2x128xi32, #tpu.memory_space<hbm>>) target(%arg5 : memref<2x128xi32, #tpu.memory_space<vmem>>) target_semaphore(%arg13 : memref<!tpu.dma_semaphore, #tpu.memory_space<semaphore_mem>>)
      } else {
      }
      %add3A_129 = arith.constant 2 : i32
      %add3A_130 = arith.addi %add3A_113, %add3A_129 : i32
      %mul3A_131 = arith.constant 32 : i32
      %mul3A_132 = arith.muli %mul3A_131, %add3A_130 : i32
      %add3A_133 = arith.addi %add3A, %mul3A_132 : i32
      %lt3A_134 = arith.constant 2500 : i32
      %lt3A_135 = arith.cmpi slt, %add3A_133, %lt3A_134 : i32
      %convert_element_type3A_136 = arith.extui %lt3A_135 : i1 to i32
      %cond3A_137 = arith.constant 0 : i32
      %cond3A_138 = arith.cmpi ne, %convert_element_type3A_136, %cond3A_137 : i32
      scf.if %cond3A_138 {
        %dma_wait3A_230 = arith.constant 0 : i32
        %dma_wait3A_231 = arith.constant 0 : i32
        %dma_wait3A_232 = tpu.memref_slice %arg2[%dma_wait3A_230, %dma_wait3A_231] : memref<2x320000xi32, #tpu.memory_space<hbm>> -> memref<2x128xi32, #tpu.memory_space<hbm>>
        %dma_wait3A_233 = arith.constant 0 : i32
        %dma_wait3A_234 = arith.constant 0 : i32
        %dma_wait3A_235 = tpu.memref_slice %arg2[%dma_wait3A_233, %dma_wait3A_234] : memref<2x320000xi32, #tpu.memory_space<hbm>> -> memref<2x128xi32, #tpu.memory_space<hbm>>
        tpu.wait_dma2 semaphore(%arg15 : memref<!tpu.dma_semaphore, #tpu.memory_space<semaphore_mem>>) src(%dma_wait3A_235 : memref<2x128xi32, #tpu.memory_space<hbm>>) dst(%arg7 : memref<2x128xi32, #tpu.memory_space<vmem>>)
        %dma_start3A_236 = arith.constant 0 : i32
        %dma_start3A_237 = arith.constant 0 : i32
        %dma_start3A_238 = tpu.memref_slice %arg7[%dma_start3A_236, %dma_start3A_237] : memref<2x128xi32, #tpu.memory_space<vmem>> -> memref<1x128xi32, #tpu.memory_space<vmem>>
        %dma_start3A_239 = tpu.memref_squeeze %dma_start3A_238 : memref<1x128xi32, #tpu.memory_space<vmem>> -> memref<128xi32, #tpu.memory_space<vmem>>
        %dma_start3A_240 = arith.constant 0 : i32
        %dma_start3A_241 = arith.constant 0 : i32
        %dma_start3A_242 = tpu.memref_slice %arg3[%dma_start3A_240, %dma_start3A_241] : memref<10000x128xf32, #tpu.memory_space<hbm>> -> memref<10000x128xf32, #tpu.memory_space<hbm>>
        tpu.enqueue_indirect_dma source(%dma_start3A_242 : memref<10000x128xf32, #tpu.memory_space<hbm>>) target(%arg9 : memref<128x128xf32, #tpu.memory_space<vmem>>) offsets(%dma_start3A_239 : memref<128xi32, #tpu.memory_space<vmem>>) semaphore(%arg17 : memref<!tpu.dma_semaphore, #tpu.memory_space<semaphore_mem>>)
      } else {
      }
      %add3A_139 = arith.constant 1 : i32
      %add3A_140 = arith.addi %mul3A_111, %add3A_139 : i32
      %mul3A_141 = arith.constant 32 : i32
      %mul3A_142 = arith.muli %mul3A_141, %add3A_140 : i32
      %add3A_143 = arith.addi %add3A, %mul3A_142 : i32
      %lt3A_144 = arith.constant 2500 : i32
      %lt3A_145 = arith.cmpi slt, %add3A_143, %lt3A_144 : i32
      %convert_element_type3A_146 = arith.extui %lt3A_145 : i1 to i32
      %cond3A_147 = arith.constant 0 : i32
      %cond3A_148 = arith.cmpi ne, %convert_element_type3A_146, %cond3A_147 : i32
      scf.if %cond3A_148 {
        %dma_wait3A_230 = arith.constant 0 : i32
        %dma_wait3A_231 = arith.constant 0 : i32
        %dma_wait3A_232 = tpu.memref_slice %arg5[%dma_wait3A_230, %dma_wait3A_231] : memref<2x128xi32, #tpu.memory_space<vmem>> -> memref<1x128xi32, #tpu.memory_space<vmem>>
        %dma_wait3A_233 = tpu.memref_squeeze %dma_wait3A_232 : memref<1x128xi32, #tpu.memory_space<vmem>> -> memref<128xi32, #tpu.memory_space<vmem>>
        %dma_wait3A_234 = arith.constant 0 : i32
        %dma_wait3A_235 = arith.constant 0 : i32
        %dma_wait3A_236 = tpu.memref_slice %arg3[%dma_wait3A_234, %dma_wait3A_235] : memref<10000x128xf32, #tpu.memory_space<hbm>> -> memref<10000x128xf32, #tpu.memory_space<hbm>>
        tpu.wait_indirect_dma semaphore(%arg18 : memref<!tpu.dma_semaphore, #tpu.memory_space<semaphore_mem>>) src(%dma_wait3A_236 : memref<10000x128xf32, #tpu.memory_space<hbm>>) dst(%arg10 : memref<128x128xf32, #tpu.memory_space<vmem>>)
        %run_scoped3A = arith.constant 1 : i32
        "tpu.region"() ({
          %run_scoped3A_237 = tpu.sem_alloc : memref<!tpu.dma_semaphore, #tpu.memory_space<semaphore_mem>>
          %dma_start3A_238 = arith.constant 0 : i32
          %dma_start3A_239 = tpu.memref_slice %arg6[%run_scoped3A, %dma_start3A_238] : memref<2x128xi32, #tpu.memory_space<vmem>> -> memref<1x128xi32, #tpu.memory_space<vmem>>
          %dma_start3A_240 = tpu.memref_squeeze %dma_start3A_239 : memref<1x128xi32, #tpu.memory_space<vmem>> -> memref<128xi32, #tpu.memory_space<vmem>>
          %dma_start3A_241 = arith.constant 0 : i32
          %dma_start3A_242 = arith.constant 0 : i32
          %dma_start3A_243 = tpu.memref_slice %arg12[%dma_start3A_241, %dma_start3A_242] : memref<10240x128xf32, #tpu.memory_space<vmem_shared>> -> memref<10240x128xf32, #tpu.memory_space<vmem_shared>>
          tpu.enqueue_indirect_dma source(%arg10 : memref<128x128xf32, #tpu.memory_space<vmem>>) target(%dma_start3A_243 : memref<10240x128xf32, #tpu.memory_space<vmem_shared>>) offsets(%dma_start3A_240 : memref<128xi32, #tpu.memory_space<vmem>>) semaphore(%run_scoped3A_237 : memref<!tpu.dma_semaphore, #tpu.memory_space<semaphore_mem>>) {add = true}
          %dma_wait3A_244 = arith.constant 0 : i32
          %dma_wait3A_245 = tpu.memref_slice %arg6[%run_scoped3A, %dma_wait3A_244] : memref<2x128xi32, #tpu.memory_space<vmem>> -> memref<1x128xi32, #tpu.memory_space<vmem>>
          %dma_wait3A_246 = tpu.memref_squeeze %dma_wait3A_245 : memref<1x128xi32, #tpu.memory_space<vmem>> -> memref<128xi32, #tpu.memory_space<vmem>>
          %dma_wait3A_247 = arith.constant 0 : i32
          %dma_wait3A_248 = arith.constant 0 : i32
          %dma_wait3A_249 = tpu.memref_slice %arg12[%dma_wait3A_247, %dma_wait3A_248] : memref<10240x128xf32, #tpu.memory_space<vmem_shared>> -> memref<10240x128xf32, #tpu.memory_space<vmem_shared>>
          tpu.wait_indirect_dma semaphore(%run_scoped3A_237 : memref<!tpu.dma_semaphore, #tpu.memory_space<semaphore_mem>>) src(%arg10 : memref<128x128xf32, #tpu.memory_space<vmem>>) dst(%dma_wait3A_249 : memref<10240x128xf32, #tpu.memory_space<vmem_shared>>)
          tpu.yield
        }) : () -> ()
      } else {
      }
      %add3A_149 = arith.constant 4 : i32
      %add3A_150 = arith.addi %add3A_140, %add3A_149 : i32
      %mul3A_151 = arith.constant 32 : i32
      %mul3A_152 = arith.muli %mul3A_151, %add3A_150 : i32
      %add3A_153 = arith.addi %add3A, %mul3A_152 : i32
      %lt3A_154 = arith.constant 2500 : i32
      %lt3A_155 = arith.cmpi slt, %add3A_153, %lt3A_154 : i32
      %convert_element_type3A_156 = arith.extui %lt3A_155 : i1 to i32
      %cond3A_157 = arith.constant 0 : i32
      %cond3A_158 = arith.cmpi ne, %convert_element_type3A_156, %cond3A_157 : i32
      scf.if %cond3A_158 {
        %add3A_230 = arith.constant 4 : i32
        %add3A_231 = arith.addi %add3A_140, %add3A_230 : i32
        %mul3A_232 = arith.constant 32 : i32
        %mul3A_233 = arith.muli %mul3A_232, %add3A_231 : i32
        %add3A_234 = arith.addi %add3A, %mul3A_233 : i32
        %mul3A_235 = arith.constant 128 : i32
        %mul3A_236 = arith.muli %add3A_234, %mul3A_235 : i32
        %dma_start3A_237 = arith.constant 0 : i32
        %dma_start3A_238 = tpu.memref_slice %arg2[%dma_start3A_237, %mul3A_236] : memref<2x320000xi32, #tpu.memory_space<hbm>> -> memref<2x128xi32, #tpu.memory_space<hbm>>
        %dma_start3A_239 = arith.constant 0 : i32
        %dma_start3A_240 = tpu.memref_slice %arg2[%dma_start3A_239, %mul3A_236] : memref<2x320000xi32, #tpu.memory_space<hbm>> -> memref<2x128xi32, #tpu.memory_space<hbm>>
        tpu.enqueue_dma source(%dma_start3A_240 : memref<2x128xi32, #tpu.memory_space<hbm>>) target(%arg6 : memref<2x128xi32, #tpu.memory_space<vmem>>) target_semaphore(%arg14 : memref<!tpu.dma_semaphore, #tpu.memory_space<semaphore_mem>>)
      } else {
      }
      %add3A_159 = arith.constant 2 : i32
      %add3A_160 = arith.addi %add3A_140, %add3A_159 : i32
      %mul3A_161 = arith.constant 32 : i32
      %mul3A_162 = arith.muli %mul3A_161, %add3A_160 : i32
      %add3A_163 = arith.addi %add3A, %mul3A_162 : i32
      %lt3A_164 = arith.constant 2500 : i32
      %lt3A_165 = arith.cmpi slt, %add3A_163, %lt3A_164 : i32
      %convert_element_type3A_166 = arith.extui %lt3A_165 : i1 to i32
      %cond3A_167 = arith.constant 0 : i32
      %cond3A_168 = arith.cmpi ne, %convert_element_type3A_166, %cond3A_167 : i32
      scf.if %cond3A_168 {
        %dma_wait3A_230 = arith.constant 0 : i32
        %dma_wait3A_231 = arith.constant 0 : i32
        %dma_wait3A_232 = tpu.memref_slice %arg2[%dma_wait3A_230, %dma_wait3A_231] : memref<2x320000xi32, #tpu.memory_space<hbm>> -> memref<2x128xi32, #tpu.memory_space<hbm>>
        %dma_wait3A_233 = arith.constant 0 : i32
        %dma_wait3A_234 = arith.constant 0 : i32
        %dma_wait3A_235 = tpu.memref_slice %arg2[%dma_wait3A_233, %dma_wait3A_234] : memref<2x320000xi32, #tpu.memory_space<hbm>> -> memref<2x128xi32, #tpu.memory_space<hbm>>
        tpu.wait_dma2 semaphore(%arg16 : memref<!tpu.dma_semaphore, #tpu.memory_space<semaphore_mem>>) src(%dma_wait3A_235 : memref<2x128xi32, #tpu.memory_space<hbm>>) dst(%arg8 : memref<2x128xi32, #tpu.memory_space<vmem>>)
        %dma_start3A_236 = arith.constant 0 : i32
        %dma_start3A_237 = arith.constant 0 : i32
        %dma_start3A_238 = tpu.memref_slice %arg8[%dma_start3A_236, %dma_start3A_237] : memref<2x128xi32, #tpu.memory_space<vmem>> -> memref<1x128xi32, #tpu.memory_space<vmem>>
        %dma_start3A_239 = tpu.memref_squeeze %dma_start3A_238 : memref<1x128xi32, #tpu.memory_space<vmem>> -> memref<128xi32, #tpu.memory_space<vmem>>
        %dma_start3A_240 = arith.constant 0 : i32
        %dma_start3A_241 = arith.constant 0 : i32
        %dma_start3A_242 = tpu.memref_slice %arg3[%dma_start3A_240, %dma_start3A_241] : memref<10000x128xf32, #tpu.memory_space<hbm>> -> memref<10000x128xf32, #tpu.memory_space<hbm>>
        tpu.enqueue_indirect_dma source(%dma_start3A_242 : memref<10000x128xf32, #tpu.memory_space<hbm>>) target(%arg10 : memref<128x128xf32, #tpu.memory_space<vmem>>) offsets(%dma_start3A_239 : memref<128xi32, #tpu.memory_space<vmem>>) semaphore(%arg18 : memref<!tpu.dma_semaphore, #tpu.memory_space<semaphore_mem>>)
      } else {
      }
      %add3A_169 = arith.constant 2 : i32
      %add3A_170 = arith.addi %mul3A_111, %add3A_169 : i32
      %mul3A_171 = arith.constant 32 : i32
      %mul3A_172 = arith.muli %mul3A_171, %add3A_170 : i32
      %add3A_173 = arith.addi %add3A, %mul3A_172 : i32
      %lt3A_174 = arith.constant 2500 : i32
      %lt3A_175 = arith.cmpi slt, %add3A_173, %lt3A_174 : i32
      %convert_element_type3A_176 = arith.extui %lt3A_175 : i1 to i32
      %cond3A_177 = arith.constant 0 : i32
      %cond3A_178 = arith.cmpi ne, %convert_element_type3A_176, %cond3A_177 : i32
      scf.if %cond3A_178 {
        %dma_wait3A_230 = arith.constant 0 : i32
        %dma_wait3A_231 = arith.constant 0 : i32
        %dma_wait3A_232 = tpu.memref_slice %arg5[%dma_wait3A_230, %dma_wait3A_231] : memref<2x128xi32, #tpu.memory_space<vmem>> -> memref<1x128xi32, #tpu.memory_space<vmem>>
        %dma_wait3A_233 = tpu.memref_squeeze %dma_wait3A_232 : memref<1x128xi32, #tpu.memory_space<vmem>> -> memref<128xi32, #tpu.memory_space<vmem>>
        %dma_wait3A_234 = arith.constant 0 : i32
        %dma_wait3A_235 = arith.constant 0 : i32
        %dma_wait3A_236 = tpu.memref_slice %arg3[%dma_wait3A_234, %dma_wait3A_235] : memref<10000x128xf32, #tpu.memory_space<hbm>> -> memref<10000x128xf32, #tpu.memory_space<hbm>>
        tpu.wait_indirect_dma semaphore(%arg17 : memref<!tpu.dma_semaphore, #tpu.memory_space<semaphore_mem>>) src(%dma_wait3A_236 : memref<10000x128xf32, #tpu.memory_space<hbm>>) dst(%arg9 : memref<128x128xf32, #tpu.memory_space<vmem>>)
        %run_scoped3A = arith.constant 1 : i32
        "tpu.region"() ({
          %run_scoped3A_237 = tpu.sem_alloc : memref<!tpu.dma_semaphore, #tpu.memory_space<semaphore_mem>>
          %dma_start3A_238 = arith.constant 0 : i32
          %dma_start3A_239 = tpu.memref_slice %arg7[%run_scoped3A, %dma_start3A_238] : memref<2x128xi32, #tpu.memory_space<vmem>> -> memref<1x128xi32, #tpu.memory_space<vmem>>
          %dma_start3A_240 = tpu.memref_squeeze %dma_start3A_239 : memref<1x128xi32, #tpu.memory_space<vmem>> -> memref<128xi32, #tpu.memory_space<vmem>>
          %dma_start3A_241 = arith.constant 0 : i32
          %dma_start3A_242 = arith.constant 0 : i32
          %dma_start3A_243 = tpu.memref_slice %arg12[%dma_start3A_241, %dma_start3A_242] : memref<10240x128xf32, #tpu.memory_space<vmem_shared>> -> memref<10240x128xf32, #tpu.memory_space<vmem_shared>>
          tpu.enqueue_indirect_dma source(%arg9 : memref<128x128xf32, #tpu.memory_space<vmem>>) target(%dma_start3A_243 : memref<10240x128xf32, #tpu.memory_space<vmem_shared>>) offsets(%dma_start3A_240 : memref<128xi32, #tpu.memory_space<vmem>>) semaphore(%run_scoped3A_237 : memref<!tpu.dma_semaphore, #tpu.memory_space<semaphore_mem>>) {add = true}
          %dma_wait3A_244 = arith.constant 0 : i32
          %dma_wait3A_245 = tpu.memref_slice %arg7[%run_scoped3A, %dma_wait3A_244] : memref<2x128xi32, #tpu.memory_space<vmem>> -> memref<1x128xi32, #tpu.memory_space<vmem>>
          %dma_wait3A_246 = tpu.memref_squeeze %dma_wait3A_245 : memref<1x128xi32, #tpu.memory_space<vmem>> -> memref<128xi32, #tpu.memory_space<vmem>>
          %dma_wait3A_247 = arith.constant 0 : i32
          %dma_wait3A_248 = arith.constant 0 : i32
          %dma_wait3A_249 = tpu.memref_slice %arg12[%dma_wait3A_247, %dma_wait3A_248] : memref<10240x128xf32, #tpu.memory_space<vmem_shared>> -> memref<10240x128xf32, #tpu.memory_space<vmem_shared>>
          tpu.wait_indirect_dma semaphore(%run_scoped3A_237 : memref<!tpu.dma_semaphore, #tpu.memory_space<semaphore_mem>>) src(%arg9 : memref<128x128xf32, #tpu.memory_space<vmem>>) dst(%dma_wait3A_249 : memref<10240x128xf32, #tpu.memory_space<vmem_shared>>)
          tpu.yield
        }) : () -> ()
      } else {
      }
      %add3A_179 = arith.constant 4 : i32
      %add3A_180 = arith.addi %add3A_170, %add3A_179 : i32
      %mul3A_181 = arith.constant 32 : i32
      %mul3A_182 = arith.muli %mul3A_181, %add3A_180 : i32
      %add3A_183 = arith.addi %add3A, %mul3A_182 : i32
      %lt3A_184 = arith.constant 2500 : i32
      %lt3A_185 = arith.cmpi slt, %add3A_183, %lt3A_184 : i32
      %convert_element_type3A_186 = arith.extui %lt3A_185 : i1 to i32
      %cond3A_187 = arith.constant 0 : i32
      %cond3A_188 = arith.cmpi ne, %convert_element_type3A_186, %cond3A_187 : i32
      scf.if %cond3A_188 {
        %add3A_230 = arith.constant 4 : i32
        %add3A_231 = arith.addi %add3A_170, %add3A_230 : i32
        %mul3A_232 = arith.constant 32 : i32
        %mul3A_233 = arith.muli %mul3A_232, %add3A_231 : i32
        %add3A_234 = arith.addi %add3A, %mul3A_233 : i32
        %mul3A_235 = arith.constant 128 : i32
        %mul3A_236 = arith.muli %add3A_234, %mul3A_235 : i32
        %dma_start3A_237 = arith.constant 0 : i32
        %dma_start3A_238 = tpu.memref_slice %arg2[%dma_start3A_237, %mul3A_236] : memref<2x320000xi32, #tpu.memory_space<hbm>> -> memref<2x128xi32, #tpu.memory_space<hbm>>
        %dma_start3A_239 = arith.constant 0 : i32
        %dma_start3A_240 = tpu.memref_slice %arg2[%dma_start3A_239, %mul3A_236] : memref<2x320000xi32, #tpu.memory_space<hbm>> -> memref<2x128xi32, #tpu.memory_space<hbm>>
        tpu.enqueue_dma source(%dma_start3A_240 : memref<2x128xi32, #tpu.memory_space<hbm>>) target(%arg7 : memref<2x128xi32, #tpu.memory_space<vmem>>) target_semaphore(%arg15 : memref<!tpu.dma_semaphore, #tpu.memory_space<semaphore_mem>>)
      } else {
      }
      %add3A_189 = arith.constant 2 : i32
      %add3A_190 = arith.addi %add3A_170, %add3A_189 : i32
      %mul3A_191 = arith.constant 32 : i32
      %mul3A_192 = arith.muli %mul3A_191, %add3A_190 : i32
      %add3A_193 = arith.addi %add3A, %mul3A_192 : i32
      %lt3A_194 = arith.constant 2500 : i32
      %lt3A_195 = arith.cmpi slt, %add3A_193, %lt3A_194 : i32
      %convert_element_type3A_196 = arith.extui %lt3A_195 : i1 to i32
      %cond3A_197 = arith.constant 0 : i32
      %cond3A_198 = arith.cmpi ne, %convert_element_type3A_196, %cond3A_197 : i32
      scf.if %cond3A_198 {
        %dma_wait3A_230 = arith.constant 0 : i32
        %dma_wait3A_231 = arith.constant 0 : i32
        %dma_wait3A_232 = tpu.memref_slice %arg2[%dma_wait3A_230, %dma_wait3A_231] : memref<2x320000xi32, #tpu.memory_space<hbm>> -> memref<2x128xi32, #tpu.memory_space<hbm>>
        %dma_wait3A_233 = arith.constant 0 : i32
        %dma_wait3A_234 = arith.constant 0 : i32
        %dma_wait3A_235 = tpu.memref_slice %arg2[%dma_wait3A_233, %dma_wait3A_234] : memref<2x320000xi32, #tpu.memory_space<hbm>> -> memref<2x128xi32, #tpu.memory_space<hbm>>
        tpu.wait_dma2 semaphore(%arg13 : memref<!tpu.dma_semaphore, #tpu.memory_space<semaphore_mem>>) src(%dma_wait3A_235 : memref<2x128xi32, #tpu.memory_space<hbm>>) dst(%arg5 : memref<2x128xi32, #tpu.memory_space<vmem>>)
        %dma_start3A_236 = arith.constant 0 : i32
        %dma_start3A_237 = arith.constant 0 : i32
        %dma_start3A_238 = tpu.memref_slice %arg5[%dma_start3A_236, %dma_start3A_237] : memref<2x128xi32, #tpu.memory_space<vmem>> -> memref<1x128xi32, #tpu.memory_space<vmem>>
        %dma_start3A_239 = tpu.memref_squeeze %dma_start3A_238 : memref<1x128xi32, #tpu.memory_space<vmem>> -> memref<128xi32, #tpu.memory_space<vmem>>
        %dma_start3A_240 = arith.constant 0 : i32
        %dma_start3A_241 = arith.constant 0 : i32
        %dma_start3A_242 = tpu.memref_slice %arg3[%dma_start3A_240, %dma_start3A_241] : memref<10000x128xf32, #tpu.memory_space<hbm>> -> memref<10000x128xf32, #tpu.memory_space<hbm>>
        tpu.enqueue_indirect_dma source(%dma_start3A_242 : memref<10000x128xf32, #tpu.memory_space<hbm>>) target(%arg9 : memref<128x128xf32, #tpu.memory_space<vmem>>) offsets(%dma_start3A_239 : memref<128xi32, #tpu.memory_space<vmem>>) semaphore(%arg17 : memref<!tpu.dma_semaphore, #tpu.memory_space<semaphore_mem>>)
      } else {
      }
      %add3A_199 = arith.constant 3 : i32
      %add3A_200 = arith.addi %mul3A_111, %add3A_199 : i32
      %mul3A_201 = arith.constant 32 : i32
      %mul3A_202 = arith.muli %mul3A_201, %add3A_200 : i32
      %add3A_203 = arith.addi %add3A, %mul3A_202 : i32
      %lt3A_204 = arith.constant 2500 : i32
      %lt3A_205 = arith.cmpi slt, %add3A_203, %lt3A_204 : i32
      %convert_element_type3A_206 = arith.extui %lt3A_205 : i1 to i32
      %cond3A_207 = arith.constant 0 : i32
      %cond3A_208 = arith.cmpi ne, %convert_element_type3A_206, %cond3A_207 : i32
      scf.if %cond3A_208 {
        %dma_wait3A_230 = arith.constant 0 : i32
        %dma_wait3A_231 = arith.constant 0 : i32
        %dma_wait3A_232 = tpu.memref_slice %arg5[%dma_wait3A_230, %dma_wait3A_231] : memref<2x128xi32, #tpu.memory_space<vmem>> -> memref<1x128xi32, #tpu.memory_space<vmem>>
        %dma_wait3A_233 = tpu.memref_squeeze %dma_wait3A_232 : memref<1x128xi32, #tpu.memory_space<vmem>> -> memref<128xi32, #tpu.memory_space<vmem>>
        %dma_wait3A_234 = arith.constant 0 : i32
        %dma_wait3A_235 = arith.constant 0 : i32
        %dma_wait3A_236 = tpu.memref_slice %arg3[%dma_wait3A_234, %dma_wait3A_235] : memref<10000x128xf32, #tpu.memory_space<hbm>> -> memref<10000x128xf32, #tpu.memory_space<hbm>>
        tpu.wait_indirect_dma semaphore(%arg18 : memref<!tpu.dma_semaphore, #tpu.memory_space<semaphore_mem>>) src(%dma_wait3A_236 : memref<10000x128xf32, #tpu.memory_space<hbm>>) dst(%arg10 : memref<128x128xf32, #tpu.memory_space<vmem>>)
        %run_scoped3A = arith.constant 1 : i32
        "tpu.region"() ({
          %run_scoped3A_237 = tpu.sem_alloc : memref<!tpu.dma_semaphore, #tpu.memory_space<semaphore_mem>>
          %dma_start3A_238 = arith.constant 0 : i32
          %dma_start3A_239 = tpu.memref_slice %arg8[%run_scoped3A, %dma_start3A_238] : memref<2x128xi32, #tpu.memory_space<vmem>> -> memref<1x128xi32, #tpu.memory_space<vmem>>
          %dma_start3A_240 = tpu.memref_squeeze %dma_start3A_239 : memref<1x128xi32, #tpu.memory_space<vmem>> -> memref<128xi32, #tpu.memory_space<vmem>>
          %dma_start3A_241 = arith.constant 0 : i32
          %dma_start3A_242 = arith.constant 0 : i32
          %dma_start3A_243 = tpu.memref_slice %arg12[%dma_start3A_241, %dma_start3A_242] : memref<10240x128xf32, #tpu.memory_space<vmem_shared>> -> memref<10240x128xf32, #tpu.memory_space<vmem_shared>>
          tpu.enqueue_indirect_dma source(%arg10 : memref<128x128xf32, #tpu.memory_space<vmem>>) target(%dma_start3A_243 : memref<10240x128xf32, #tpu.memory_space<vmem_shared>>) offsets(%dma_start3A_240 : memref<128xi32, #tpu.memory_space<vmem>>) semaphore(%run_scoped3A_237 : memref<!tpu.dma_semaphore, #tpu.memory_space<semaphore_mem>>) {add = true}
          %dma_wait3A_244 = arith.constant 0 : i32
          %dma_wait3A_245 = tpu.memref_slice %arg8[%run_scoped3A, %dma_wait3A_244] : memref<2x128xi32, #tpu.memory_space<vmem>> -> memref<1x128xi32, #tpu.memory_space<vmem>>
          %dma_wait3A_246 = tpu.memref_squeeze %dma_wait3A_245 : memref<1x128xi32, #tpu.memory_space<vmem>> -> memref<128xi32, #tpu.memory_space<vmem>>
          %dma_wait3A_247 = arith.constant 0 : i32
          %dma_wait3A_248 = arith.constant 0 : i32
          %dma_wait3A_249 = tpu.memref_slice %arg12[%dma_wait3A_247, %dma_wait3A_248] : memref<10240x128xf32, #tpu.memory_space<vmem_shared>> -> memref<10240x128xf32, #tpu.memory_space<vmem_shared>>
          tpu.wait_indirect_dma semaphore(%run_scoped3A_237 : memref<!tpu.dma_semaphore, #tpu.memory_space<semaphore_mem>>) src(%arg10 : memref<128x128xf32, #tpu.memory_space<vmem>>) dst(%dma_wait3A_249 : memref<10240x128xf32, #tpu.memory_space<vmem_shared>>)
          tpu.yield
        }) : () -> ()
      } else {
      }
      %add3A_209 = arith.constant 4 : i32
      %add3A_210 = arith.addi %add3A_200, %add3A_209 : i32
      %mul3A_211 = arith.constant 32 : i32
      %mul3A_212 = arith.muli %mul3A_211, %add3A_210 : i32
      %add3A_213 = arith.addi %add3A, %mul3A_212 : i32
      %lt3A_214 = arith.constant 2500 : i32
      %lt3A_215 = arith.cmpi slt, %add3A_213, %lt3A_214 : i32
      %convert_element_type3A_216 = arith.extui %lt3A_215 : i1 to i32
      %cond3A_217 = arith.constant 0 : i32
      %cond3A_218 = arith.cmpi ne, %convert_element_type3A_216, %cond3A_217 : i32
      scf.if %cond3A_218 {
        %add3A_230 = arith.constant 4 : i32
        %add3A_231 = arith.addi %add3A_200, %add3A_230 : i32
        %mul3A_232 = arith.constant 32 : i32
        %mul3A_233 = arith.muli %mul3A_232, %add3A_231 : i32
        %add3A_234 = arith.addi %add3A, %mul3A_233 : i32
        %mul3A_235 = arith.constant 128 : i32
        %mul3A_236 = arith.muli %add3A_234, %mul3A_235 : i32
        %dma_start3A_237 = arith.constant 0 : i32
        %dma_start3A_238 = tpu.memref_slice %arg2[%dma_start3A_237, %mul3A_236] : memref<2x320000xi32, #tpu.memory_space<hbm>> -> memref<2x128xi32, #tpu.memory_space<hbm>>
        %dma_start3A_239 = arith.constant 0 : i32
        %dma_start3A_240 = tpu.memref_slice %arg2[%dma_start3A_239, %mul3A_236] : memref<2x320000xi32, #tpu.memory_space<hbm>> -> memref<2x128xi32, #tpu.memory_space<hbm>>
        tpu.enqueue_dma source(%dma_start3A_240 : memref<2x128xi32, #tpu.memory_space<hbm>>) target(%arg8 : memref<2x128xi32, #tpu.memory_space<vmem>>) target_semaphore(%arg16 : memref<!tpu.dma_semaphore, #tpu.memory_space<semaphore_mem>>)
      } else {
      }
      %add3A_219 = arith.constant 2 : i32
      %add3A_220 = arith.addi %add3A_200, %add3A_219 : i32
      %mul3A_221 = arith.constant 32 : i32
      %mul3A_222 = arith.muli %mul3A_221, %add3A_220 : i32
      %add3A_223 = arith.addi %add3A, %mul3A_222 : i32
      %lt3A_224 = arith.constant 2500 : i32
      %lt3A_225 = arith.cmpi slt, %add3A_223, %lt3A_224 : i32
      %convert_element_type3A_226 = arith.extui %lt3A_225 : i1 to i32
      %cond3A_227 = arith.constant 0 : i32
      %cond3A_228 = arith.cmpi ne, %convert_element_type3A_226, %cond3A_227 : i32
      scf.if %cond3A_228 {
        %dma_wait3A_230 = arith.constant 0 : i32
        %dma_wait3A_231 = arith.constant 0 : i32
        %dma_wait3A_232 = tpu.memref_slice %arg2[%dma_wait3A_230, %dma_wait3A_231] : memref<2x320000xi32, #tpu.memory_space<hbm>> -> memref<2x128xi32, #tpu.memory_space<hbm>>
        %dma_wait3A_233 = arith.constant 0 : i32
        %dma_wait3A_234 = arith.constant 0 : i32
        %dma_wait3A_235 = tpu.memref_slice %arg2[%dma_wait3A_233, %dma_wait3A_234] : memref<2x320000xi32, #tpu.memory_space<hbm>> -> memref<2x128xi32, #tpu.memory_space<hbm>>
        tpu.wait_dma2 semaphore(%arg14 : memref<!tpu.dma_semaphore, #tpu.memory_space<semaphore_mem>>) src(%dma_wait3A_235 : memref<2x128xi32, #tpu.memory_space<hbm>>) dst(%arg6 : memref<2x128xi32, #tpu.memory_space<vmem>>)
        %dma_start3A_236 = arith.constant 0 : i32
        %dma_start3A_237 = arith.constant 0 : i32
        %dma_start3A_238 = tpu.memref_slice %arg6[%dma_start3A_236, %dma_start3A_237] : memref<2x128xi32, #tpu.memory_space<vmem>> -> memref<1x128xi32, #tpu.memory_space<vmem>>
        %dma_start3A_239 = tpu.memref_squeeze %dma_start3A_238 : memref<1x128xi32, #tpu.memory_space<vmem>> -> memref<128xi32, #tpu.memory_space<vmem>>
        %dma_start3A_240 = arith.constant 0 : i32
        %dma_start3A_241 = arith.constant 0 : i32
        %dma_start3A_242 = tpu.memref_slice %arg3[%dma_start3A_240, %dma_start3A_241] : memref<10000x128xf32, #tpu.memory_space<hbm>> -> memref<10000x128xf32, #tpu.memory_space<hbm>>
        tpu.enqueue_indirect_dma source(%dma_start3A_242 : memref<10000x128xf32, #tpu.memory_space<hbm>>) target(%arg10 : memref<128x128xf32, #tpu.memory_space<vmem>>) offsets(%dma_start3A_239 : memref<128xi32, #tpu.memory_space<vmem>>) semaphore(%arg18 : memref<!tpu.dma_semaphore, #tpu.memory_space<semaphore_mem>>)
      } else {
      }
      %scan3A_229 = arith.constant 0 : i32
      scf.yield %scan3A_229 : i32
    }
    %scan3A_102 = arith.constant 20 : i32
    %barrier3A_103 = arith.constant 0 : index
    tpu.barrier barrier_id(%barrier3A_103)
    %mul3A_104 = arith.constant 640 : i32
    %mul3A_105 = arith.muli %arg1, %mul3A_104 : i32
    %mul3A_106 = arith.constant 640 : i32
    %mul3A_107 = arith.muli %arg1, %mul3A_106 : i32
    "tpu.region"() ({
      %run_scoped3A = tpu.sem_alloc : memref<!tpu.dma_semaphore, #tpu.memory_space<semaphore_mem>>
      %dma_start3A_108 = arith.constant 0 : i32
      %dma_start3A_109 = tpu.memref_slice %arg4[%arg0, %mul3A_107, %dma_start3A_108] : memref<2x10240x128xf32, #tpu.memory_space<hbm>> -> memref<1x640x128xf32, #tpu.memory_space<hbm>>
      %dma_start3A_110 = tpu.memref_squeeze %dma_start3A_109 : memref<1x640x128xf32, #tpu.memory_space<hbm>> -> memref<640x128xf32, #tpu.memory_space<hbm>>
      %dma_start3A_111 = arith.constant 0 : i32
      %dma_start3A_112 = tpu.memref_slice %arg12[%mul3A_105, %dma_start3A_111] : memref<10240x128xf32, #tpu.memory_space<vmem_shared>> -> memref<640x128xf32, #tpu.memory_space<vmem_shared>>
      tpu.enqueue_dma source(%dma_start3A_112 : memref<640x128xf32, #tpu.memory_space<vmem_shared>>) target(%dma_start3A_110 : memref<640x128xf32, #tpu.memory_space<hbm>>) target_semaphore(%run_scoped3A : memref<!tpu.dma_semaphore, #tpu.memory_space<semaphore_mem>>)
      %dma_wait3A_113 = arith.constant 0 : i32
      %dma_wait3A_114 = tpu.memref_slice %arg4[%arg0, %mul3A_107, %dma_wait3A_113] : memref<2x10240x128xf32, #tpu.memory_space<hbm>> -> memref<1x640x128xf32, #tpu.memory_space<hbm>>
      %dma_wait3A_115 = tpu.memref_squeeze %dma_wait3A_114 : memref<1x640x128xf32, #tpu.memory_space<hbm>> -> memref<640x128xf32, #tpu.memory_space<hbm>>
      %dma_wait3A_116 = arith.constant 0 : i32
      %dma_wait3A_117 = tpu.memref_slice %arg12[%mul3A_105, %dma_wait3A_116] : memref<10240x128xf32, #tpu.memory_space<vmem_shared>> -> memref<640x128xf32, #tpu.memory_space<vmem_shared>>
      tpu.wait_dma2 semaphore(%run_scoped3A : memref<!tpu.dma_semaphore, #tpu.memory_space<semaphore_mem>>) src(%dma_wait3A_117 : memref<640x128xf32, #tpu.memory_space<vmem_shared>>) dst(%dma_wait3A_115 : memref<640x128xf32, #tpu.memory_space<hbm>>)
      tpu.yield
    }) : () -> ()
    return
  }
}

module attributes {stable_mosaic.version = 14 : i64} {
  func.func @kern(%arg0: i32, %arg1: memref<5000x128xf32, #tpu.memory_space<vmem>>, %arg2: memref<1x5000x128xf32, #tpu.memory_space<vmem>>, %arg3: memref<1x5000x128xf32, #tpu.memory_space<vmem>>, %arg4: memref<128x128xf32, #tpu.memory_space<vmem>>, %arg5: memref<1x128xf32, #tpu.memory_space<vmem>>, %arg6: memref<128x128xf32, #tpu.memory_space<vmem>>, %arg7: memref<1x128xf32, #tpu.memory_space<vmem>>, %arg8: memref<1x1xf32, #tpu.memory_space<smem>>, %arg9: memref<5000x128xf32, #tpu.memory_space<vmem>>) attributes {dimension_semantics = [#tpu.dimension_semantics<arbitrary>], iteration_bounds = array<i64: 2>, scalar_prefetch = 0 : i64, scratch_operands = 0 : i64, tpu.core_type = #tpu.core_type<tc>, window_params = [{transform_indices = @transform_0, window_bounds = array<i64: 5000, 128>}, {transform_indices = @transform_1, window_bounds = array<i64: 1, 5000, 128>}, {transform_indices = @transform_2, window_bounds = array<i64: 1, 5000, 128>}, {pipeline_mode = #tpu.pipeline_mode<synchronous>, transform_indices = @transform_3, window_bounds = array<i64: 128, 128>}, {pipeline_mode = #tpu.pipeline_mode<synchronous>, transform_indices = @transform_4, window_bounds = array<i64: 1, 128>}, {pipeline_mode = #tpu.pipeline_mode<synchronous>, transform_indices = @transform_5, window_bounds = array<i64: 128, 128>}, {pipeline_mode = #tpu.pipeline_mode<synchronous>, transform_indices = @transform_6, window_bounds = array<i64: 1, 128>}, {transform_indices = @transform_7, window_bounds = array<i64: 1, 1>}, {transform_indices = @transform_8, window_bounds = array<i64: 5000, 128>}]} {
    %get3A = arith.constant 0 : index
    %get3A_0 = arith.constant 0 : index
    %get3A_1 = memref.load %arg8[%get3A, %get3A_0] : memref<1x1xf32, #tpu.memory_space<smem>>
    %add3A = arith.constant 1.000000e+00 : f32
    %add3A_2 = arith.addf %add3A, %get3A_1 : f32
    %get3A_3 = arith.constant 0 : index
    %get3A_4 = arith.constant 0 : index
    %get3A_5 = vector.load %arg1[%get3A_3, %get3A_4] : memref<5000x128xf32, #tpu.memory_space<vmem>>, vector<5000x128xf32>
    %mul3A = vector.broadcast %add3A_2 : f32 to vector<5000x128xf32>
    %mul3A_6 = arith.mulf %mul3A, %get3A_5 : vector<5000x128xf32>
    %get3A_7 = arith.constant 0 : index
    %get3A_8 = arith.constant 0 : index
    %get3A_9 = arith.constant 0 : index
    %get3A_10 = vector.load %arg2[%get3A_7, %get3A_8, %get3A_9] : memref<1x5000x128xf32, #tpu.memory_space<vmem>>, vector<1x5000x128xf32>
    %get3A_11 = vector.shape_cast %get3A_10 : vector<1x5000x128xf32> to vector<5000x128xf32>
    %add3A_12 = arith.addf %mul3A_6, %get3A_11 : vector<5000x128xf32>
    %get3A_13 = arith.constant 0 : index
    %get3A_14 = arith.constant 0 : index
    %get3A_15 = arith.constant 0 : index
    %get3A_16 = vector.load %arg3[%get3A_13, %get3A_14, %get3A_15] : memref<1x5000x128xf32, #tpu.memory_space<vmem>>, vector<1x5000x128xf32>
    %get3A_17 = vector.shape_cast %get3A_16 : vector<1x5000x128xf32> to vector<5000x128xf32>
    %add3A_18 = arith.addf %add3A_12, %get3A_17 : vector<5000x128xf32>
    %get3A_19 = arith.constant 0 : index
    %get3A_20 = arith.constant 0 : index
    %get3A_21 = vector.load %arg4[%get3A_19, %get3A_20] : memref<128x128xf32, #tpu.memory_space<vmem>>, vector<128x128xf32>
    %dot_general3A = arith.constant dense<0.000000e+00> : vector<5000x128xf32>
    %dot_general3A_22 = tpu.matmul %add3A_18, %get3A_21, %dot_general3A {dimension_numbers = #tpu.dot_dimension_numbers<[1], [0], [0], [1], [0, 0, 1, 1], [], []>, transpose_lhs_hint = false} : vector<5000x128xf32>, vector<128x128xf32>, vector<5000x128xf32> -> vector<5000x128xf32>
    %get3A_23 = arith.constant 0 : index
    %get3A_24 = arith.constant 0 : index
    %get3A_25 = vector.load %arg5[%get3A_23, %get3A_24] : memref<1x128xf32, #tpu.memory_space<vmem>>, vector<1x128xf32>
    %add3A_26 = vector.broadcast %get3A_25 : vector<1x128xf32> to vector<5000x128xf32>
    %add3A_27 = arith.addf %dot_general3A_22, %add3A_26 : vector<5000x128xf32>
    %max3A = arith.constant 0.000000e+00 : f32
    %max3A_28 = vector.broadcast %max3A : f32 to vector<5000x128xf32>
    %max3A_29 = arith.maximumf %add3A_27, %max3A_28 : vector<5000x128xf32>
    %get3A_30 = arith.constant 0 : index
    %get3A_31 = arith.constant 0 : index
    %get3A_32 = vector.load %arg6[%get3A_30, %get3A_31] : memref<128x128xf32, #tpu.memory_space<vmem>>, vector<128x128xf32>
    %dot_general3A_33 = arith.constant dense<0.000000e+00> : vector<5000x128xf32>
    %dot_general3A_34 = tpu.matmul %max3A_29, %get3A_32, %dot_general3A_33 {dimension_numbers = #tpu.dot_dimension_numbers<[1], [0], [0], [1], [0, 0, 1, 1], [], []>, transpose_lhs_hint = false} : vector<5000x128xf32>, vector<128x128xf32>, vector<5000x128xf32> -> vector<5000x128xf32>
    %get3A_35 = arith.constant 0 : index
    %get3A_36 = arith.constant 0 : index
    %get3A_37 = vector.load %arg7[%get3A_35, %get3A_36] : memref<1x128xf32, #tpu.memory_space<vmem>>, vector<1x128xf32>
    %add3A_38 = vector.broadcast %get3A_37 : vector<1x128xf32> to vector<5000x128xf32>
    %add3A_39 = arith.addf %dot_general3A_34, %add3A_38 : vector<5000x128xf32>
    %swap3A = arith.constant 0 : index
    %swap3A_40 = arith.constant 0 : index
    %swap3A_41 = vector.load %arg9[%swap3A, %swap3A_40] : memref<5000x128xf32, #tpu.memory_space<vmem>>, vector<5000x128xf32>
    tpu.vector_store %arg9[%swap3A, %swap3A_40], %add3A_39 {strides = array<i32>} : memref<5000x128xf32, #tpu.memory_space<vmem>>, vector<5000x128xf32>,
    return
  }
  func.func @transform_0(%arg0: i32) -> (i32, i32) {
    %c0_i32 = arith.constant 0 : i32
    %c0_i32_0 = arith.constant 0 : i32
    return %arg0, %c0_i32 : i32, i32
  }
  func.func @transform_1(%arg0: i32) -> (i32, i32, i32) {
    %c0_i32 = arith.constant 0 : i32
    %c0_i32_0 = arith.constant 0 : i32
    %c0_i32_1 = arith.constant 0 : i32
    return %c0_i32, %arg0, %c0_i32_0 : i32, i32, i32
  }
  func.func @transform_2(%arg0: i32) -> (i32, i32, i32) {
    %c1_i32 = arith.constant 1 : i32
    %c0_i32 = arith.constant 0 : i32
    %c0_i32_0 = arith.constant 0 : i32
    return %c1_i32, %arg0, %c0_i32 : i32, i32, i32
  }
  func.func @transform_3(%arg0: i32) -> (i32, i32) {
    %c0_i32 = arith.constant 0 : i32
    %c0_i32_0 = arith.constant 0 : i32
    %c0_i32_1 = arith.constant 0 : i32
    return %c0_i32, %c0_i32_0 : i32, i32
  }
  func.func @transform_4(%arg0: i32) -> (i32, i32) {
    %c0_i32 = arith.constant 0 : i32
    %c0_i32_0 = arith.constant 0 : i32
    %c0_i32_1 = arith.constant 0 : i32
    return %c0_i32, %c0_i32_0 : i32, i32
  }
  func.func @transform_5(%arg0: i32) -> (i32, i32) {
    %c0_i32 = arith.constant 0 : i32
    %c0_i32_0 = arith.constant 0 : i32
    %c0_i32_1 = arith.constant 0 : i32
    return %c0_i32, %c0_i32_0 : i32, i32
  }
  func.func @transform_6(%arg0: i32) -> (i32, i32) {
    %c0_i32 = arith.constant 0 : i32
    %c0_i32_0 = arith.constant 0 : i32
    %c0_i32_1 = arith.constant 0 : i32
    return %c0_i32, %c0_i32_0 : i32, i32
  }
  func.func @transform_7(%arg0: i32) -> (i32, i32) {
    %c0_i32 = arith.constant 0 : i32
    %c0_i32_0 = arith.constant 0 : i32
    %c0_i32_1 = arith.constant 0 : i32
    return %c0_i32, %c0_i32_0 : i32, i32
  }
  func.func @transform_8(%arg0: i32) -> (i32, i32) {
    %c0_i32 = arith.constant 0 : i32
    %c0_i32_0 = arith.constant 0 : i32
    return %arg0, %c0_i32 : i32, i32
  }
}

</mosaic_0001>

<sc_bundles>
// kernel: kernel.4.cloned.1.call-start
scs
__scs_entry_jumppad:
0x0: {  	(pc) =	sbr.rel $0x88, $3  }
0x1: {  	(tag) =	ssettag $0x0;
	lr =	simm.s32 $0x1  }
0x2: {  	[smem:$0x3F9A] =	sst lr;
	_ =	strace $0xD0000000  }
0x3: {  	_ = 	snop  }
0x4: {  	_ = 	snop  }
0x5: {  	_ = 	snop  }
0x6: {  	_ = 	snop  }
0x7: {  	_ = 	snop  }
__scs_overlays_trampoline_lowered:
0x8: {  	[smem:$0x3FA9] =	sst s0  }
0x9: {  	[smem:$0x3FAA] =	sst s1  }
0xa: {  	[smem:$0x3FAB] =	sst s2  }
0xb: {  	[smem:$0x3FAC] =	sst s3  }
0xc: {  	[smem:$0x3FAD] =	sst s4  }
0xd: {  	[smem:$0x3FAE] =	sst s5  }
0xe: {  	[smem:$0x3FAF] =	sst s6  }
0xf: {  	[smem:$0x3FB0] =	sst s7  }
0x10: {  	[smem:$0x3FB1] =	sst s8  }
0x11: {  	[smem:$0x3FB2] =	sst s9;
	s0 =	simm.s32 @!p0 $0x0  }
0x12: {  	s1 =	sld [smem:$0x3F98];
	s0 =	simm.s32 @p0 $0x1  }
0x13: {  	[smem:$0x3FB3] =	sst s0;
	s0 =	simm.s32 @!p1 $0x0  }
0x14: {  	s2 =	sld [smem:$0x3F97];
	s0 =	simm.s32 @p1 $0x1  }
0x15: {  	[smem:$0x3FB4] =	sst s0;
	s0 =	simm.s32 @!p2 $0x0  }
0x16: {  	s3 =	sld [smem:$0x3FDB];
	s0 =	simm.s32 @p2 $0x1  }
0x17: {  	s4 =	simm.s32 $0x1BF5;
	[smem:$0x3FB6] =	sst s0  }
0x18: {  	s0 =	sld [smem:$0x3F99];
	_ =	swait.ge [sflag:s4], $0x0  }
0x19: {  	s7 =	sld [smem:$0x3F9A]  }
0x1a: {  	s8 =	sadd.s32 $0xFFFFE003, lr  }
0x1b: {  	s9 =	sadd.s32 $0xFFFFFEF7, lr;
	s5 =	simm.s32 $0xFFFFFFFF;
	p2 =	slt.u32 s8, $0xFFFFF086  }
0x1c: {  	p1 =	slt.u32 s9, $0xF7A;
	s5 =	simm.s32 @!p2 $0x0  }
0x1d: {  	s5 =	simm.s32 @p1 $0x1;
	p0 =	seq.s32 s7, s2  }
0x1e: {  	s7 =	smul.u32 @!p0 $0xF7A, s2;
	p2 =	seq.s32 @!p0 s5, $0x0  }
0x1f: {  	s9 =	smul.u32 $0xF7A, s1;
	s8 =	simm.s32 @!p0 $0x1BF5;
	p2 =	por !p2, p0  }
0x20: {  	[sflag:s8] =	ssyncset.s32 @!p0 $0xFFFFF086;
	s6 =	sadd.s32 @!p0 s3, s7;
	s7 =	simm.s32 @!p0 $0x108  }
0x21: {  	s3 =	sadd.s32 s3, s9;
	s6 =	sadd.s32 @!p0 $0x88, s6;
	s7 =	simm.s32 @p2 $0x1082  }
0x22: {  	[simem:s7], [sflag:s8] =	dma.local @!p0 [hbm:s6], $0xF7A  }
0x23: {  	s9 =	sor.u32 $0xD0000000, s2;
	s6 =	simm.s32 $0x108;
	_ =	swait.ge @!p0 [sflag:s8], $0x0  }
0x24: {  	s3 =	sadd.s32 $0x88, s3;
	s6 =	simm.s32 @!p1 $0x1082;
	[sflag:s4] =	ssyncset.s32 $0xFFFFF086  }
0x25: {  	[simem:s6], [sflag:s4] =	dma.local [hbm:s3], $0xF7A  }
0x26: {  	[smem:$0x3F9A] =	sst s1;
	(tag) =	ssettag s2;
	_ =	strace s9  }
0x27: {  	s1 =	sld [smem:$0x3FAA]  }
0x28: {  	s2 =	sld [smem:$0x3FAB]  }
0x29: {  	s4 =	sld [smem:$0x3FAD]  }
0x2a: {  	p0 =	seq.s32 s5, $0x0;
	s5 =	sld [smem:$0x3FAE]  }
0x2b: {  	s6 =	sld [smem:$0x3FAF]  }
0x2c: {  	s7 =	sld [smem:$0x3FB0]  }
0x2d: {  	s3 =	simm.s32 $0x108;
	s8 =	sld [smem:$0x3FB1]  }
0x2e: {  	s3 =	simm.s32 @!p0 $0x1082;
	s9 =	sld [smem:$0x3FB2]  }
0x2f: {  	lr =	sadd.s32 s0, s3;
	s0 =	sld [smem:$0x3FA9]  }
0x30: {  	s3 =	sld [smem:$0x3FAC]  }
0x31: {  	[smem:$0x3FB5] =	sst s10  }
0x32: {  	s10 =	sld [smem:$0x3FB3];
	_ =	sdelay $0x3  }
0x33: {  	p0 =	seq.s32 s10, $0x1;
	s10 =	sld [smem:$0x3FB5];
	_ =	sdelay $0x3  }
0x34: {  	[smem:$0x3FB5] =	sst s10  }
0x35: {  	s10 =	sld [smem:$0x3FB4];
	_ =	sdelay $0x3  }
0x36: {  	p1 =	seq.s32 s10, $0x1;
	s10 =	sld [smem:$0x3FB5];
	_ =	sdelay $0x3  }
0x37: {  	[smem:$0x3FB5] =	sst s10  }
0x38: {  	s10 =	sld [smem:$0x3FB6]  }
0x39: {  	_ = 	snop;
	(pc) =	sbr.ind lr, $3  }
0x3a: {  	_ = 	snop  }
0x3b: {  	_ = 	snop  }
0x3c: {  	p2 =	seq.s32 s10, $0x1;
	s10 =	sld [smem:$0x3FB5]  }
0x3d: {  	_ =	shalt  }
0x3e: {  	_ =	shalt  }
0x3f: {  	_ =	shalt  }
0x40: {  	_ =	shalt  }
0x41: {  	_ =	shalt  }
0x42: {  	_ =	shalt  }
0x43: {  	_ =	shalt  }
0x44: {  	_ =	shalt  }
0x45: {  	_ =	shalt  }
0x46: {  	_ =	shalt  }
0x47: {  	_ =	shalt  }
0x48: {  	_ =	shalt  }
0x49: {  	_ =	shalt  }
0x4a: {  	_ =	shalt  }
0x4b: {  	_ =	shalt  }
0x4c: {  	_ =	shalt  }
0x4d: {  	_ =	shalt  }
0x4e: {  	_ =	shalt  }
0x4f: {  	_ =	shalt  }
0x50: {  	_ =	shalt  }
0x51: {  	_ =	shalt  }
0x52: {  	_ =	shalt  }
0x53: {  	_ =	shalt  }
0x54: {  	_ =	shalt  }
0x55: {  	_ =	shalt  }
0x56: {  	_ =	shalt  }
0x57: {  	_ =	shalt  }
0x58: {  	_ =	shalt  }
0x59: {  	_ =	shalt  }
0x5a: {  	_ =	shalt  }
0x5b: {  	_ =	shalt  }
0x5c: {  	_ =	shalt  }
0x5d: {  	_ =	shalt  }
0x5e: {  	_ =	shalt  }
0x5f: {  	_ =	shalt  }
0x60: {  	_ =	shalt  }
0x61: {  	_ =	shalt  }
0x62: {  	_ =	shalt  }
0x63: {  	_ =	shalt  }
0x64: {  	_ =	shalt  }
0x65: {  	_ =	shalt  }
0x66: {  	_ =	shalt  }
0x67: {  	_ =	shalt  }
0x68: {  	_ =	shalt  }
0x69: {  	_ =	shalt  }
0x6a: {  	_ =	shalt  }
0x6b: {  	_ =	shalt  }
0x6c: {  	_ =	shalt  }
0x6d: {  	_ =	shalt  }
0x6e: {  	_ =	shalt  }
0x6f: {  	_ =	shalt  }
0x70: {  	_ =	shalt  }
0x71: {  	_ =	shalt  }
0x72: {  	_ =	shalt  }
0x73: {  	_ =	shalt  }
0x74: {  	_ =	shalt  }
0x75: {  	_ =	shalt  }
0x76: {  	_ =	shalt  }
0x77: {  	_ =	shalt  }
0x78: {  	_ =	shalt  }
0x79: {  	_ =	shalt  }
0x7a: {  	_ =	shalt  }
0x7b: {  	_ =	shalt  }
0x7c: {  	_ =	shalt  }
0x7d: {  	_ =	shalt  }
0x7e: {  	_ =	shalt  }
0x7f: {  	_ =	shalt  }
0x80: {  	_ =	shalt  }
0x81: {  	_ =	shalt  }
0x82: {  	_ =	shalt  }
0x83: {  	_ =	shalt  }
0x84: {  	_ =	shalt  }
0x85: {  	_ =	shalt  }
0x86: {  	_ =	shalt  }
0x87: {  	_ =	shalt  }
.Lfunc_end0:
.L_simem_size_0:
called_computation_lowered:
.L_overlay_start_0:
0x88: {  	s2 =	sld [smem:$0x3FD9]  }
0x89: {  	s3 =	sld [smem:$0x3FFE];
	_ =	sdelay $0x1  }
0x8a: {  	s1 =	srdreg.scid  }
0x8b: {  	s0 =	sand.u32 $0x1, s1  }
0x8c: {  	s17 =	sshll.u32 s0, $0xA;
	s2 =	sadd.s32 s3, s2  }
0x8d: {  	s2 =	sadd.s32 s2, s17  }
0x8e: {  	[smem:$0x3FC1] =	sst s2  }
0x8f: {  	_ = 	snop  }
0x90: {  	s2 =	sld [smem:$0x3FC9]  }
0x91: {  	s18 =	sld [smem:$0x3FC8];
	(tm) =	ssettm $0x1  }
0x92: {  	s4 =	sld [smem:$0x3FFB];
	_ =	sdelay $0x3  }
0x93: {  	_ =	strace s4  }
0x94: {  	s4 =	sld [smem:$0x3FFC];
	_ =	sdelay $0x3  }
0x95: {  	_ =	strace s4  }
0x96: {  	s4 =	sld [smem:$0x3FFD];
	_ =	sdelay $0x3  }
0x97: {  	_ =	strace s4  }
0x98: {  	_ =	strace $0x8FFFFFFF  }
0x99: {  	s19 =	sld [smem:$0x3FDB];
	_ =	sdelay $0x1  }
0x9a: {  	s5 =	simm.s32 $_scs_section_size  }
0x9b: {  	s6 =	simm.s32 $_size__tile_overlayer_lowered;
	s7 =	simm.s32 $_tile_overlayer_lowered  }
0x9c: {  	s22 =	simm.s32 $0x1BFF;
	s21 =	sshll.u32 s7, $0x1;
	s4 =	sadd.s32 s5, s19  }
0x9d: {  	s8 =	simm.s32 $0x0;
	s20 =	sshll.u32 s6, $0x1;
	s6 =	sadd.s32 s21, s4  }
0x9e: {  	[timem:s8], [sflag:s22] =	dma.local [hbm:s6], s20  }
0x9f: {  	_ =	swait.ge [sflag:s22], s20  }
0xa0: {  	s5 =	ssub.s32 $0x0, s20;
	[sflag:s22] =	ssyncset.done $0x0  }
0xa1: {  	[sflag:s22] =	ssyncadd.s32 s5;
	_ =	sdelay $0x1  }
0xa2: {  	s23 =	simm.s32 $0x1B8B  }
0xa3: {  	_ =	swait.ge [sflag:s23], $0x1  }
0xa4: {  	[sflag:s23] =	ssyncset.done $0x0  }
0xa5: {  	s25 =	simm.s32 $0x1B8E;
	s24 =	sld [smem:$0x3FFE];
	[sflag:s23] =	ssyncadd.s32 $0xFFFFFFFF  }
0xa6: {  	s26 =	simm.s32 $execute0_lowered;
	[smem:$0x3FD2] =	sst s25  }
0xa7: {  	s6 =	sshll.u32 s26, $0x1;
	_ =	strace $0x80000046;
	[dreg:$0x1] =	wrdreg $0xFFFFFFFF  }
0xa8: {  	s28 =	simm.s32 $_size_execute0_lowered;
	s4 =	sadd.s32 s4, s6;
	[dreg:$0x0] =	wrdreg $0x0  }
0xa9: {  	s6 =	sshll.u32 s28, $0x1;
	[dreg:$0x2] =	wrdreg s4  }
0xaa: {  	[dreg:$0x3] =	wrdreg s6  }
0xab: {  	[dreg:$0x4] =	wrdreg $0xC0  }
0xac: {  	_ =	task [dreg:s8], $0x5FFFF  }
0xad: {  	[dreg:$0x1] =	wrdreg $0xFFFFFFFF  }
0xae: {  	[dreg:$0x0] =	wrdreg $0x60  }
0xaf: {  	[dreg:$0x2] =	wrdreg s18  }
0xb0: {  	[dreg:$0x3] =	wrdreg s2  }
0xb1: {  	[dreg:$0x4] =	wrdreg s24  }
0xb2: {  	[dreg:$0x5] =	wrdreg $0xAC000  }
0xb3: {  	[dreg:$0x6] =	wrdreg $0x9  }
0xb4: {  	_ =	task.clear_ibuf [dreg:s8], $0x7FFFF;
	_ =	strace $0x90000046  }
0xb5: {  	s29 =	simm.s32 $0x9;
	_ =	strace $0x80000048  }
0xb6: {  	_ =	swait.ge [sflag:s29], $0x1  }
0xb7: {  	[sflag:s29] =	ssyncadd.s32 $0xFFFFFFFF  }
0xb8: {  	_ =	strace $0x90000048  }
0xb9: {  	_ =	sfence  }
0xba: {  	s30 =	sld [smem:$0x0];
	_ =	sdelay $0x2  }
0xbb: {  	s31 =	sshll.u32 s1, $0xD;
	s1 =	sshrl.u32 s1, $0x2  }
0xbc: {  	s3 =	sand.u32 $0x4000, s31;
	s1 =	sadd.s32 s1, s30  }
0xbd: {  	s0 =	sor.u32 s3, s0;
	s1 =	sshll.u32 s1, $0x11  }
0xbe: {  	s0 =	sor.u32 s1, s0  }
0xbf: {  	s0 =	sadd.s32 $0x8F2B, s0  }
0xc0: {  	[sflag:s0] =	ssyncadd.remote.s32 $0x1  }
0xc1: {  	_ =	sfence.sel $0xFFFF  }
0xc2: {  	[dreg:$0x0] =	wrdreg $0xFFFFFFFF;
	(pc) =	sbr.abs _section_cstart, $3  }
0xc3: {  	[dreg:$0x1] =	wrdreg $0xFFFFFFFF  }
0xc4: {  	_ =	task.clear_ibuf [dreg:s8], $0x2FFFF;
	_ =	strace $0x9FFFFFFF  }
0xc5: {  	(tm) =	ssettm $0x7FFFFFFF  }
tec
execute0_lowered:
.L_overlay_start_1:
0x0: {  	(tag) =	ssettag $0x1  }
0x1: {  	s0 =	rddreg [dreg:$0x0]  }
0x2: {  	s1 =	rddreg [dreg:$0x1];
	s2 =	srdreg.scid  }
0x3: {  	s6 =	rddreg [dreg:$0x2];
	s13 =	stileid.u32  }
0x4: {  	s3 =	rddreg [dreg:$0x3];
	s4 =	simm.s32 $0x0;
	s28 =	simm.s32 $0x400  }
0x5: {  	s29 =	simm.s32 $0x2;
	s30 =	simm.s32 $0x4400;
	s7 =	smul.u32 $0x14000, s13  }
0x6: {  	s2 =	sand.u32 $0x1, s2;
	[smem:$0x7FF] =	sst s4;
	s11 =	smul.u32 $0x50000, s13  }
0x7: {  	s26 =	sshll.u32 s13, $0x1;
	s5 =	smul.u32 $0x140000, s2;
	s9 =	ssub.s32 $0x2, s2  }
0x8: {  	_ =	strace $0x80000047;
	s21 =	ssub.s32 $0x984, s26;
	s12 =	sshrl.u32 s9, $0x1  }
0x9: {  	[dreg:$0x5] =	wrdreg s21;
	s5 =	sadd.s32 s7, s5;
	s9 =	ssub.s32 s9, s12  }
0xa: {  	s7 =	ssub.s32 $0x964, s26;
	s8 =	sshrl.u32 s5, $0x3;
	s5 =	sor.u32 s2, s26  }
0xb: {  	[dreg:$0x7] =	wrdreg s7;
	s25 =	smax.u32 s9, $0x1;
	s26 =	simm.s32 $0x180  }
0xc: {  	s10 =	sshll.u32 s5, $0x5;
	s8 =	sadd.s32 s8, s6;
	[dreg:$0x13] =	wrdreg s25  }
0xd: {  	[dreg:$0x6] =	wrdreg s26;
	s6 =	sadd.s32 s0, s10;
	s24 =	sadd.s32 $0x1000, s8  }
0xe: {  	s31 =	simm.s32 $0x8400;
	s10 =	sadd.s32 $0x400, s6;
	[dreg:$0x12] =	wrdreg s24  }
0xf: {  	s12 =	sshrl.u32 s11, $0x2;
	s14 =	sadd.s32 $0x800, s6;
	[dreg:$0x8] =	wrdreg s10  }
0x10: {  	s15 =	sadd.s32 $0xC00, s6;
	[dreg:$0x9] =	wrdreg s14;
	s10 =	sadd.s32 s12, s3  }
0x11: {  	s11 =	simm.s32 $0x100;
	[dreg:$0xa] =	wrdreg s15;
	s16 =	sadd.s32 $0x2800, s10  }
0x12: {  	s2 =	sshll.u32 s2, $0x5;
	s17 =	sadd.s32 $0x5000, s10;
	[dreg:$0xb] =	wrdreg s16  }
0x13: {  	s25 =	simm.s32 $0x1;
	s18 =	sadd.s32 $0x7800, s10;
	[dreg:$0xc] =	wrdreg s17  }
0x14: {  	s26 =	simm.s32 $0x80;
	s19 =	sadd.s32 $0xA000, s10;
	[dreg:$0xd] =	wrdreg s18  }
0x15: {  	s24 =	simm.s32 $0x0;
	s20 =	sadd.s32 $0xC800, s10;
	[dreg:$0xe] =	wrdreg s19  }
0x16: {  	s22 =	sadd.s32 $0xF000, s10;
	[dreg:$0xf] =	wrdreg s20;
	s17 =	sshll.u32 s13, $0x6  }
0x17: {  	s23 =	sadd.s32 $0x11800, s10;
	[dreg:$0x10] =	wrdreg s22;
	s0 =	sadd.s32 s17, s0  }
0x18: {  	[dreg:$0x11] =	wrdreg s23;
	s23 =	simm.s32 $0x6;
	s0 =	sadd.s32 s2, s0  }
0x19: {  	v0 =	vimm.f32 $0.0e+00;
	s2 =	simm.s32 $0x7;
	s9 =	sadd.s32 $0x1C00, s0;
	s0 =	simm.s32 $0x5  }
.LBB2_1:
0x1a: {  	[tilespmem:s4], [sflag:$0x1] =	stream.linear.gather [hbm4b:s6+s4], $0x100, $0x38;
	[tilespmem:$0x1EC00] =	vst v63  }
0x1b: {  	s7 =	rddreg [dreg:$0x8]  }
0x1c: {  	s20 =	rddreg [dreg:$0x9]  }
0x1d: {  	[tilespmem:s11], [sflag:$0x2] =	stream.linear.gather [hbm4b:s7+s4], $0x100, $0x38;
	[tilespmem:$0x1EC00] =	vst v63  }
0x1e: {  	s8 =	simm.s32 $0x200;
	s21 =	rddreg [dreg:$0xa]  }
0x1f: {  	[tilespmem:s8], [sflag:$0x3] =	stream.linear.gather [hbm4b:s20+s4], $0x100, $0x38;
	[tilespmem:$0x1EC00] =	vst v63  }
0x20: {  	s22 =	simm.s32 $0x300;
	s7 =	simm.s32 $0x0;
	s8 =	simm.s32 $0x200  }
0x21: {  	[tilespmem:s22], [sflag:$0x4] =	stream.linear.gather [hbm4b:s21+s4], $0x100, $0x38;
	[tilespmem:$0x1EC00] =	vst v63  }
.LBB2_2:
0x22: {  	p0 =	sne.s32 s8, $0x9E00;
	[tilespmem:s7+$0x8470] =	vst v0  }
0x23: {  	[tilespmem:s7+$0x8400] =	vst v0  }
0x24: {  	[tilespmem:s7+$0x8410] =	vst v0  }
.Ltmp0:
0x25: {  	[tilespmem:s7+$0x8420] =	vst v0;
	(pc) =	sbr.rel @p0 .LBB2_2-.Ltmp0, $4  }
0x26: {  	[tilespmem:s7+$0x8430] =	vst v0  }
0x27: {  	[tilespmem:s7+$0x8440] =	vst v0  }
0x28: {  	[tilespmem:s7+$0x8450] =	vst v0  }
0x29: {  	[tilespmem:s7+$0x8460] =	vst v0;
	s7 =	sshra.s32 s8, $0x2;
	s8 =	sadd.s32 $0x200, s8  }
0x2a: {  	[tilespmem:s7+$0x8470] =	vst v0  }
0x2b: {  	[tilespmem:s7+$0x8400] =	vst v0  }
0x2c: {  	[tilespmem:s7+$0x8410] =	vst v0  }
0x2d: {  	[tilespmem:s7+$0x8420] =	vst v0  }
0x2e: {  	[tilespmem:s7+$0x8430] =	vst v0  }
0x2f: {  	[tilespmem:s7+$0x8440] =	vst v0  }
0x30: {  	[tilespmem:s7+$0x8450] =	vst v0  }
0x31: {  	[tilespmem:s7+$0x8460] =	vst v0  }
0x32: {  	_ =	swait.ge [sflag:s25], $0x100  }
0x33: {  	[sflag:s25] =	ssyncset.done $0x0  }
0x34: {  	s22 =	simm.s32 $0x0;
	[sflag:s25] =	ssyncadd.s32 $0xFFFFFF00  }
0x35: {  	[tilespmem:s28], [sflag:$0x5] =	stream.indirect.gather [hbm4b:s1+s26], $0x80, s22, s26, $0xb8;
	[tilespmem:$0x1EC00] =	vst v63  }
0x36: {  	_ =	swait.ge [sflag:s29], $0x100  }
0x37: {  	[sflag:s29] =	ssyncset.done $0x0  }
0x38: {  	[sflag:s29] =	ssyncadd.s32 $0xFFFFFF00  }
0x39: {  	[tilespmem:s30], [sflag:$0x6] =	stream.indirect.gather [hbm4b:s1+s26], $0x80, s11, s26, $0xb8;
	[tilespmem:$0x1EC00] =	vst v63  }
0x3a: {  	_ = 	snop  }
0x3b: {  	[spmem:s10] =	stream.linear.scatter [tilespmem:s31], [sflag:$0x7], $0x2800, $0x38;
	[tilespmem:$0x1EC00] =	vst v63  }
0x3c: {  	_ =	swait.ge [sflag:s2], $0x2800  }
0x3d: {  	[sflag:s2] =	ssyncset.done $0x0  }
0x3e: {  	s8 =	rddreg [dreg:$0xb];
	[sflag:s2] =	ssyncadd.s32 $0xFFFFD800  }
0x3f: {  	[spmem:s8] =	stream.linear.scatter [tilespmem:s31], [sflag:$0x7], $0x2800, $0x38;
	[tilespmem:$0x1EC00] =	vst v63  }
0x40: {  	_ =	swait.ge [sflag:s2], $0x2800  }
0x41: {  	[sflag:s2] =	ssyncset.done $0x0  }
0x42: {  	s11 =	rddreg [dreg:$0xc];
	[sflag:s2] =	ssyncadd.s32 $0xFFFFD800  }
0x43: {  	[spmem:s11] =	stream.linear.scatter [tilespmem:s31], [sflag:$0x7], $0x2800, $0x38;
	[tilespmem:$0x1EC00] =	vst v63  }
0x44: {  	_ =	swait.ge [sflag:s2], $0x2800  }
0x45: {  	[sflag:s2] =	ssyncset.done $0x0  }
0x46: {  	s12 =	rddreg [dreg:$0xd];
	[sflag:s2] =	ssyncadd.s32 $0xFFFFD800  }
0x47: {  	[spmem:s12] =	stream.linear.scatter [tilespmem:s31], [sflag:$0x7], $0x2800, $0x38;
	[tilespmem:$0x1EC00] =	vst v63  }
0x48: {  	_ =	swait.ge [sflag:s2], $0x2800  }
0x49: {  	[sflag:s2] =	ssyncset.done $0x0  }
0x4a: {  	s13 =	rddreg [dreg:$0xe];
	[sflag:s2] =	ssyncadd.s32 $0xFFFFD800  }
0x4b: {  	[spmem:s13] =	stream.linear.scatter [tilespmem:s31], [sflag:$0x7], $0x2800, $0x38;
	[tilespmem:$0x1EC00] =	vst v63  }
0x4c: {  	_ =	swait.ge [sflag:s2], $0x2800  }
0x4d: {  	[sflag:s2] =	ssyncset.done $0x0  }
0x4e: {  	s14 =	rddreg [dreg:$0xf];
	[sflag:s2] =	ssyncadd.s32 $0xFFFFD800  }
0x4f: {  	[spmem:s14] =	stream.linear.scatter [tilespmem:s31], [sflag:$0x7], $0x2800, $0x38;
	[tilespmem:$0x1EC00] =	vst v63  }
0x50: {  	_ =	swait.ge [sflag:s2], $0x2800  }
0x51: {  	[sflag:s2] =	ssyncset.done $0x0  }
0x52: {  	s15 =	rddreg [dreg:$0x10];
	[sflag:s2] =	ssyncadd.s32 $0xFFFFD800  }
0x53: {  	[spmem:s15] =	stream.linear.scatter [tilespmem:s31], [sflag:$0x7], $0x2800, $0x38;
	[tilespmem:$0x1EC00] =	vst v63  }
0x54: {  	_ =	swait.ge [sflag:s2], $0x2800  }
0x55: {  	[sflag:s2] =	ssyncset.done $0x0  }
0x56: {  	s16 =	rddreg [dreg:$0x11];
	[sflag:s2] =	ssyncadd.s32 $0xFFFFD800  }
0x57: {  	[spmem:s16] =	stream.linear.scatter [tilespmem:s31], [sflag:$0x7], $0x2800, $0x38;
	[tilespmem:$0x1EC00] =	vst v63  }
0x58: {  	_ =	swait.ge [sflag:s2], $0x2800  }
0x59: {  	[sflag:s2] =	ssyncset.done $0x0  }
0x5a: {  	[sflag:s2] =	ssyncadd.s32 $0xFFFFD800  }
0x5b: {  	[bflag:$0x0] =	sbarrier.arrive $0xFFFF  }
0x5c: {  	_ =	swait.ge [sflag:s0], $0x4000  }
0x5d: {  	s18 =	sadd.s32 $0x0, s5;
	[sflag:s0] =	ssyncset.done $0x0  }
0x5e: {  	s8 =	sadd.s32 $0x80, s18;
	[sflag:s0] =	ssyncadd.s32 $0xFFFFC000  }
0x5f: {  	[spmem:s3] =	stream.indirect.scatter.add.f32 [tilespmem:s28], [sflag:$0x7], $0x80, s26, s26, $0xb8;
	[tilespmem:$0x1EC00] =	vst v63  }
0x60: {  	p1 =	sgt.u32 s8, $0x9C3;
	_ =	swait.ge [sflag:s2], $0x4000  }
0x61: {  	s11 =	sadd.s32 @!p1 $0xFFFFF400, s9;
	[sflag:s2] =	ssyncset.done $0x0;
	s19 =	rddreg [dreg:$0x5]  }
0x62: {  	s12 =	simm.s32 @!p1 $0x0;
	[sflag:s2] =	ssyncadd.s32 $0xFFFFC000;
	p2 =	sle.u32 s19, $0x0  }
0x63: {  	[tilespmem:s12], [sflag:$0x1] =	stream.linear.gather @!p1 [hbm4b:s11+s12], $0x100, $0x38;
	[tilespmem:$0x1EC00] =	vst v63  }
0x64: {  	s8 =	simm.s32 @!p2 $0x3  }
0x65: {  	_ =	swait.ge @!p2 [sflag:s8], $0x100  }
0x66: {  	s11 =	simm.s32 @!p2 $0x400;
	[sflag:s8] =	ssyncset.done @!p2 $0x0  }
0x67: {  	s13 =	simm.s32 @!p2 $0x80;
	s14 =	simm.s32 @!p2 $0x200;
	[sflag:s8] =	ssyncadd.s32 @!p2 $0xFFFFFF00  }
0x68: {  	[tilespmem:s11], [sflag:$0x5] =	stream.indirect.gather @!p2 [hbm4b:s1+s13], $0x80, s14, s13, $0xb8;
	[tilespmem:$0x1EC00] =	vst v63  }
0x69: {  	_ =	swait.ge [sflag:s23], $0x4000  }
0x6a: {  	s21 =	sadd.s32 $0xA0, s18;
	[sflag:s23] =	ssyncset.done $0x0  }
0x6b: {  	p0 =	sgt.u32 s21, $0x9C3;
	s20 =	rddreg [dreg:$0x6];
	[sflag:s23] =	ssyncadd.s32 $0xFFFFC000  }
0x6c: {  	[spmem:s3] =	stream.indirect.scatter.add.f32 [tilespmem:s30], [sflag:$0x7], $0x80, s20, s26, $0xb8;
	[tilespmem:$0x1EC00] =	vst v63  }
0x6d: {  	s15 =	simm.s32 @!p0 $0x0;
	_ =	swait.ge [sflag:s2], $0x4000  }
0x6e: {  	s8 =	simm.s32 @!p0 $0x100;
	[sflag:s2] =	ssyncset.done $0x0;
	s21 =	rddreg [dreg:$0x7]  }
0x6f: {  	s14 =	sadd.s32 @!p0 $0xFFFFF800, s9;
	[sflag:s2] =	ssyncadd.s32 $0xFFFFC000;
	p3 =	sle.u32 s21, $0x0  }
0x70: {  	[tilespmem:s8], [sflag:$0x2] =	stream.linear.gather @!p0 [hbm4b:s14+s15], $0x100, $0x38;
	[tilespmem:$0x1EC00] =	vst v63  }
0x71: {  	s14 =	simm.s32 @!p3 $0x4  }
0x72: {  	_ =	swait.ge @!p3 [sflag:s14], $0x100  }
0x73: {  	s15 =	simm.s32 @!p3 $0x80;
	[sflag:s14] =	ssyncset.done @!p3 $0x0  }
0x74: {  	s21 =	simm.s32 @!p3 $0x300;
	[sflag:s14] =	ssyncadd.s32 @!p3 $0xFFFFFF00;
	s14 =	simm.s32 @!p3 $0x4400  }
0x75: {  	[tilespmem:s14], [sflag:$0x6] =	stream.indirect.gather @!p3 [hbm4b:s1+s15], $0x80, s21, s15, $0xb8;
	[tilespmem:$0x1EC00] =	vst v63  }
0x76: {  	s21 =	simm.s32 @!p2 $0x5  }
0x77: {  	_ =	swait.ge @!p2 [sflag:s21], $0x4000  }
0x78: {  	[sflag:s21] =	ssyncset.done @!p2 $0x0  }
0x79: {  	[sflag:s21] =	ssyncadd.s32 @!p2 $0xFFFFC000;
	s21 =	simm.s32 @!p2 $0x280  }
0x7a: {  	[spmem:s3] =	stream.indirect.scatter.add.f32 @!p2 [tilespmem:s11], [sflag:$0x7], $0x80, s21, s13, $0xb8;
	[tilespmem:$0x1EC00] =	vst v63  }
0x7b: {  	s22 =	sadd.s32 $0xC0, s18;
	s13 =	simm.s32 @!p2 $0x7  }
0x7c: {  	p4 =	sgt.u32 s22, $0x9C3;
	_ =	swait.ge @!p2 [sflag:s13], $0x4000  }
0x7d: {  	s11 =	sadd.s32 @!p4 $0xFFFFFC00, s9;
	[sflag:s13] =	ssyncset.done @!p2 $0x0  }
0x7e: {  	s21 =	simm.s32 @!p4 $0x0;
	[sflag:s13] =	ssyncadd.s32 @!p2 $0xFFFFC000;
	s13 =	simm.s32 @!p4 $0x200  }
0x7f: {  	[tilespmem:s13], [sflag:$0x3] =	stream.linear.gather @!p4 [hbm4b:s11+s21], $0x100, $0x38;
	[tilespmem:$0x1EC00] =	vst v63  }
0x80: {  	s11 =	simm.s32 @!p1 $0x1  }
0x81: {  	_ =	swait.ge @!p1 [sflag:s11], $0x100  }
0x82: {  	[sflag:s11] =	ssyncset.done @!p1 $0x0  }
0x83: {  	s13 =	simm.s32 @!p1 $0x80;
	[sflag:s11] =	ssyncadd.s32 @!p1 $0xFFFFFF00;
	s11 =	simm.s32 @!p1 $0x400  }
0x84: {  	[tilespmem:s11], [sflag:$0x5] =	stream.indirect.gather @!p1 [hbm4b:s1+s13], $0x80, s12, s13, $0xb8;
	[tilespmem:$0x1EC00] =	vst v63  }
0x85: {  	s11 =	simm.s32 @!p3 $0x6  }
0x86: {  	_ =	swait.ge @!p3 [sflag:s11], $0x4000  }
0x87: {  	[sflag:s11] =	ssyncset.done @!p3 $0x0  }
0x88: {  	s12 =	simm.s32 @!p3 $0x380;
	[sflag:s11] =	ssyncadd.s32 @!p3 $0xFFFFC000;
	s11 =	simm.s32 @!p3 $0x7  }
0x89: {  	[spmem:s3] =	stream.indirect.scatter.add.f32 @!p3 [tilespmem:s14], [sflag:$0x7], $0x80, s12, s15, $0xb8;
	[tilespmem:$0x1EC00] =	vst v63  }
0x8a: {  	s7 =	sadd.s32 $0xE0, s18;
	_ =	swait.ge @!p3 [sflag:s11], $0x4000  }
0x8b: {  	p1 =	sgt.u32 s7, $0x9C3;
	[sflag:s11] =	ssyncset.done @!p3 $0x0  }
0x8c: {  	s7 =	simm.s32 @!p1 $0x0;
	[sflag:s11] =	ssyncadd.s32 @!p3 $0xFFFFC000;
	s11 =	simm.s32 @!p1 $0x300  }
0x8d: {  	[tilespmem:s11], [sflag:$0x4] =	stream.linear.gather @!p1 [hbm4b:s9+s7], $0x100, $0x38;
	[tilespmem:$0x1EC00] =	vst v63  }
0x8e: {  	s21 =	smov.u32 s9;
	s13 =	simm.s32 @!p0 $0x4400;
	s11 =	simm.s32 @!p0 $0x2  }
0x8f: {  	s12 =	simm.s32 @!p0 $0x80;
	s7 =	simm.s32 $0x80;
	_ =	swait.ge @!p0 [sflag:s11], $0x100  }
.LBB2_4:
0x90: {  	[sflag:s11] =	ssyncset.done @!p0 $0x0  }
0x91: {  	[sflag:s11] =	ssyncadd.s32 @!p0 $0xFFFFFF00  }
0x92: {  	[tilespmem:s13], [sflag:$0x6] =	stream.indirect.gather @!p0 [hbm4b:s1+s12], $0x80, s8, s12, $0xb8;
	[tilespmem:$0x1EC00] =	vst v63  }
0x93: {  	s14 =	smov.u32 s7;
	_ =	swait.ge [sflag:s0], $0x4000  }
0x94: {  	s19 =	sadd.s32 s14, s5;
	[sflag:s0] =	ssyncset.done $0x0  }
0x95: {  	s20 =	sadd.s32 $0x80, s19;
	[sflag:s0] =	ssyncadd.s32 $0xFFFFC000  }
0x96: {  	[spmem:s3] =	stream.indirect.scatter.add.f32 [tilespmem:s28], [sflag:$0x7], $0x80, s26, s26, $0xb8;
	[tilespmem:$0x1EC00] =	vst v63  }
0x97: {  	s21 =	sadd.s32 $0x1000, s21;
	p2 =	sgt.u32 s20, $0x9C3;
	_ =	swait.ge [sflag:s2], $0x4000  }
0x98: {  	s16 =	sadd.s32 @!p2 $0xFFFFF400, s21;
	[sflag:s2] =	ssyncset.done $0x0;
	s18 =	rddreg [dreg:$0x5]  }
0x99: {  	s12 =	simm.s32 @!p2 $0x0;
	[sflag:s2] =	ssyncadd.s32 $0xFFFFC000;
	p3 =	sge.u32 s14, s18  }
0x9a: {  	[tilespmem:s12], [sflag:$0x1] =	stream.linear.gather @!p2 [hbm4b:s16+s12], $0x100, $0x38;
	[tilespmem:$0x1EC00] =	vst v63  }
0x9b: {  	s8 =	simm.s32 @!p3 $0x3  }
0x9c: {  	_ =	swait.ge @!p3 [sflag:s8], $0x100  }
0x9d: {  	s16 =	simm.s32 @!p3 $0x400;
	[sflag:s8] =	ssyncset.done @!p3 $0x0  }
0x9e: {  	s18 =	simm.s32 @!p3 $0x80;
	s22 =	simm.s32 @!p3 $0x200;
	[sflag:s8] =	ssyncadd.s32 @!p3 $0xFFFFFF00  }
0x9f: {  	[tilespmem:s16], [sflag:$0x5] =	stream.indirect.gather @!p3 [hbm4b:s1+s18], $0x80, s22, s18, $0xb8;
	[tilespmem:$0x1EC00] =	vst v63  }
0xa0: {  	_ =	swait.ge [sflag:s23], $0x4000  }
0xa1: {  	s15 =	sadd.s32 $0xA0, s19;
	s13 =	sadd.s32 $0xC0, s19;
	[sflag:s23] =	ssyncset.done $0x0  }
0xa2: {  	p0 =	sgt.u32 s15, $0x9C3;
	s22 =	rddreg [dreg:$0x6];
	[sflag:s23] =	ssyncadd.s32 $0xFFFFC000  }
0xa3: {  	[spmem:s3] =	stream.indirect.scatter.add.f32 [tilespmem:s30], [sflag:$0x7], $0x80, s22, s26, $0xb8;
	[tilespmem:$0x1EC00] =	vst v63  }
0xa4: {  	s11 =	sadd.s32 $0xE0, s19;
	s15 =	sadd.s32 @!p0 $0xFFFFF800, s21;
	_ =	swait.ge [sflag:s2], $0x4000  }
0xa5: {  	s8 =	simm.s32 @!p0 $0x100;
	[sflag:s2] =	ssyncset.done $0x0;
	s19 =	rddreg [dreg:$0x7]  }
0xa6: {  	s22 =	simm.s32 @!p0 $0x0;
	[sflag:s2] =	ssyncadd.s32 $0xFFFFC000;
	p4 =	sge.u32 s14, s19  }
0xa7: {  	[tilespmem:s8], [sflag:$0x2] =	stream.linear.gather @!p0 [hbm4b:s15+s22], $0x100, $0x38;
	[tilespmem:$0x1EC00] =	vst v63  }
0xa8: {  	s14 =	simm.s32 @!p4 $0x4  }
0xa9: {  	_ =	swait.ge @!p4 [sflag:s14], $0x100  }
0xaa: {  	s19 =	simm.s32 @!p3 $0x5;
	s15 =	simm.s32 @!p4 $0x80;
	[sflag:s14] =	ssyncset.done @!p4 $0x0  }
0xab: {  	s22 =	simm.s32 @!p4 $0x300;
	s20 =	simm.s32 @!p4 $0x4400;
	[sflag:s14] =	ssyncadd.s32 @!p4 $0xFFFFFF00  }
0xac: {  	[tilespmem:s20], [sflag:$0x6] =	stream.indirect.gather @!p4 [hbm4b:s1+s15], $0x80, s22, s15, $0xb8;
	[tilespmem:$0x1EC00] =	vst v63  }
0xad: {  	_ =	swait.ge @!p3 [sflag:s19], $0x4000  }
0xae: {  	[sflag:s19] =	ssyncset.done @!p3 $0x0  }
0xaf: {  	s14 =	simm.s32 @!p3 $0x280;
	s22 =	simm.s32 @!p3 $0x7;
	[sflag:s19] =	ssyncadd.s32 @!p3 $0xFFFFC000  }
0xb0: {  	[spmem:s3] =	stream.indirect.scatter.add.f32 @!p3 [tilespmem:s16], [sflag:$0x7], $0x80, s14, s18, $0xb8;
	[tilespmem:$0x1EC00] =	vst v63  }
0xb1: {  	p5 =	sgt.u32 s13, $0x9C3;
	_ =	swait.ge @!p3 [sflag:s22], $0x4000  }
0xb2: {  	s13 =	sadd.s32 @!p5 $0xFFFFFC00, s21;
	s14 =	simm.s32 @!p5 $0x0;
	[sflag:s22] =	ssyncset.done @!p3 $0x0  }
0xb3: {  	s16 =	simm.s32 @!p2 $0x1;
	s18 =	simm.s32 @!p5 $0x200;
	[sflag:s22] =	ssyncadd.s32 @!p3 $0xFFFFC000  }
0xb4: {  	[tilespmem:s18], [sflag:$0x3] =	stream.linear.gather @!p5 [hbm4b:s13+s14], $0x100, $0x38;
	[tilespmem:$0x1EC00] =	vst v63  }
0xb5: {  	_ =	swait.ge @!p2 [sflag:s16], $0x100  }
0xb6: {  	s13 =	simm.s32 @!p2 $0x80;
	[sflag:s16] =	ssyncset.done @!p2 $0x0  }
0xb7: {  	s14 =	simm.s32 @!p2 $0x400;
	s18 =	simm.s32 @!p4 $0x6;
	[sflag:s16] =	ssyncadd.s32 @!p2 $0xFFFFFF00  }
0xb8: {  	[tilespmem:s14], [sflag:$0x5] =	stream.indirect.gather @!p2 [hbm4b:s1+s13], $0x80, s12, s13, $0xb8;
	[tilespmem:$0x1EC00] =	vst v63  }
0xb9: {  	s7 =	sadd.s32 $0x80, s7;
	_ =	swait.ge @!p4 [sflag:s18], $0x4000  }
0xba: {  	p1 =	sne.s32 s7, $0xA00;
	[sflag:s18] =	ssyncset.done @!p4 $0x0  }
0xbb: {  	s12 =	simm.s32 @!p4 $0x380;
	s13 =	simm.s32 @!p4 $0x7;
	[sflag:s18] =	ssyncadd.s32 @!p4 $0xFFFFC000  }
0xbc: {  	[spmem:s3] =	stream.indirect.scatter.add.f32 @!p4 [tilespmem:s20], [sflag:$0x7], $0x80, s12, s15, $0xb8;
	[tilespmem:$0x1EC00] =	vst v63  }
.Ltmp1:
0xbd: {  	_ =	swait.ge @!p4 [sflag:s13], $0x4000;
	(pc) =	sbr.rel @p1 .LBB2_4-.Ltmp1, $4  }
0xbe: {  	p2 =	sgt.u32 s11, $0x9C3;
	s11 =	simm.s32 @!p0 $0x2;
	[sflag:s13] =	ssyncset.done @!p4 $0x0  }
0xbf: {  	s12 =	simm.s32 @!p2 $0x0;
	[sflag:s13] =	ssyncadd.s32 @!p4 $0xFFFFC000;
	s13 =	simm.s32 @!p2 $0x300  }
0xc0: {  	[tilespmem:s13], [sflag:$0x4] =	stream.linear.gather @!p2 [hbm4b:s21+s12], $0x100, $0x38;
	[tilespmem:$0x1EC00] =	vst v63  }
0xc1: {  	s12 =	simm.s32 @!p0 $0x80;
	s13 =	simm.s32 @!p0 $0x4400;
	_ =	swait.ge @!p0 [sflag:s11], $0x100  }
0xc2: {  	[sflag:s11] =	ssyncset.done @!p0 $0x0  }
0xc3: {  	[sflag:s11] =	ssyncadd.s32 @!p0 $0xFFFFFF00  }
0xc4: {  	[tilespmem:s13], [sflag:$0x6] =	stream.indirect.gather @!p0 [hbm4b:s1+s12], $0x80, s8, s12, $0xb8;
	[tilespmem:$0x1EC00] =	vst v63  }
0xc5: {  	[bflag:$0x0] =	sbarrier.arrive $0xFFFF  }
0xc6: {  	s7 =	sor.u32 $0x1C07, s17;
	s20 =	sshrl.u32 s10, $0x3;
	s21 =	rddreg [dreg:$0x12]  }
0xc7: {  	[hbm:s21], [sflag:s7] =	dma.local [spmem:s20], $0x2800  }
0xc8: {  	_ =	swait.ge [sflag:s2], $0x2800  }
0xc9: {  	s24 =	sadd.s32 $0x1, s24;
	s22 =	rddreg [dreg:$0x13]  }
0xca: {  	p0 =	sne.s32 s24, s22  }
.Ltmp2:
0xcb: {  	_ = 	snop;
	(pc) =	sbr.rel @p0 .LBB2_1-.Ltmp2, $3  }
0xcc: {  	_ =	sdelay $0x1  }
0xcd: {  	[sflag:s2] =	ssyncset.done $0x0  }
0xce: {  	s11 =	simm.s32 $0x100;
	[sflag:s2] =	ssyncadd.s32 $0xFFFFD800  }
0xcf: {  	_ =	sfence.sel $0x180000  }
0xd0: {  	[bflag:$0x0] =	sbarrier.arrive $0xFFFF  }
0xd1: {  	_ =	strace $0x90000047  }
0xd2: {  	s0 =	stileid.u32;
	[bflag:$0x2] =	sbarrier.arrive $0xFFFF  }
0xd3: {  	p0 =	sne.s32 s0, $0x0;
	s0 =	rddreg [dreg:$0x4]  }
0xd4: {  	s0 =	sadd.s32 @!p0 $0x100000, s0  }
0xd5: {  	[sflag:s0] =	ssyncadd.tile.s32 @!p0 $0x1;
	_ =	shalt  }
.Lfunc_end2:
_tile_overlayer_lowered:
.L_overlay_start_2:
0xd6: {  	(tag) =	ssettag $0x2  }
0xd7: {  	s0 =	rddreg [dreg:$0x0];
	s2 =	stileid.u32  }
0xd8: {  	s1 =	rddreg [dreg:$0x1];
	p0 =	sne.s32 s2, $0x0  }
0xd9: {  	s3 =	rddreg [dreg:$0x2];
	[bflag:$0x3] =	sbarrier.arrive $0xFFFF;
	s2 =	simm.s32 @!p0 $0x1C07  }
0xda: {  	[timem:s3], [sflag:s2] =	dma.local @!p0 [hbm:s0], s1  }
0xdb: {  	s0 =	simm.s32 @!p0 $0x7  }
0xdc: {  	_ =	swait.ge @!p0 [sflag:s0], s1  }
0xdd: {  	s1 =	ssub.s32 @!p0 $0x0, s1;
	[sflag:s0] =	ssyncset.done @!p0 $0x0  }
0xde: {  	[sflag:s0] =	ssyncadd.s32 @!p0 s1  }
0xdf: {  	[bflag:$0x3] =	sbarrier.arrive $0xFFFF  }
0xe0: {  	_ =	shalt  }

</sc_bundles>
